<compile_context>
chip_gen: v7x
topology: tpu7x:2x2x1
jax: 0.10.2.dev20260603
libtpu: 0.0.44.dev20260713+nightly
codegen_flags: <defaults>
</compile_context>

<pallas_src>
import jax
import jax.numpy as jnp
from jax import lax
from jax.experimental import pallas as pl
from jax.experimental.pallas import tpu as pltpu
from jax.experimental.pallas import tpu_sc as plsc

NC = 2
NS = 16
L = 16
NW = NC * NS

T = 2097152
K = 1048576
D = 3

KW = K // NW
U = 8


NH = 2
H = KW // NH


def _sc_body(x_hbm, y_hbm, idx_hbm, dx_hbm, dy_hbm, out_hbm,
             idx_v, xs_v, ys_v, dxv, dyv, accv,
             sem0, sem1, sem2, sem3):
    wid = lax.axis_index("s") * NC + lax.axis_index("c")
    base = wid * KW
    sems = (sem0, sem1, sem2, sem3)

    pltpu.sync_copy(idx_hbm.at[pl.ds(base, KW)], idx_v)
    copies = []
    for h in range(NH):
        sl = pl.ds(h * H, H)
        copies.append(pltpu.async_copy(
            x_hbm.at[idx_v.at[sl]], xs_v.at[sl], sems[2 * h]))
        copies.append(pltpu.async_copy(
            y_hbm.at[idx_v.at[sl]], ys_v.at[sl], sems[2 * h + 1]))

    pltpu.sync_copy(dx_hbm, dxv)
    pltpu.sync_copy(dy_hbm, dyv)
    dx_t = dxv[...]
    dy_t = dyv[...]

    zero = jnp.zeros((L,), jnp.float32)

    def make_pass(src_v, tgt):
        def body(i, accs):
            b = i * (U * L)
            out = []
            for u in range(U):
                d = src_v[pl.ds(b + u * L, L)] - tgt
                out.append(accs[u] + d * d)
            return tuple(out)
        return body

    accs = (zero,) * U
    for h in range(NH):
        lo = h * H // (U * L)
        hi = (h + 1) * H // (U * L)
        copies[2 * h].wait()
        accs = lax.fori_loop(lo, hi, make_pass(xs_v, dx_t), accs)
        copies[2 * h + 1].wait()
        accs = lax.fori_loop(lo, hi, make_pass(ys_v, dy_t), accs)

    acc = accs[0]
    for u in range(1, U):
        acc = acc + accs[u]
    accv[...] = acc
    pltpu.sync_copy(accv, out_hbm.at[wid])


@jax.jit
def _sc_partials(xcol, ycol, idx, dxv, dyv):
    mesh = plsc.VectorSubcoreMesh(core_axis_name="c", subcore_axis_name="s")
    return pl.kernel(
        _sc_body,
        out_type=jax.ShapeDtypeStruct((NW, L), jnp.float32),
        mesh=mesh,
        scratch_types=[
            pltpu.VMEM((KW,), jnp.int32),
            pltpu.VMEM((KW,), jnp.float32),
            pltpu.VMEM((KW,), jnp.float32),
            pltpu.VMEM((L,), jnp.float32),
            pltpu.VMEM((L,), jnp.float32),
            pltpu.VMEM((L,), jnp.float32),
            pltpu.SemaphoreType.DMA,
            pltpu.SemaphoreType.DMA,
            pltpu.SemaphoreType.DMA,
            pltpu.SemaphoreType.DMA,
        ],
        compiler_params=pltpu.CompilerParams(
            needs_layout_passes=False, use_tc_tiling_on_sc=False),
    )(xcol, ycol, idx, dxv, dyv)


def kernel(xt, indices, dest):
    idx = indices.astype(jnp.int32)
    xcol = xt[:, 0]
    ycol = xt[:, 1]
    dxv = jnp.full((L,), dest[0, 0], dtype=jnp.float32)
    dyv = jnp.full((L,), dest[0, 1], dtype=jnp.float32)
    partials = _sc_partials(xcol, ycol, idx, dxv, dyv)
    return jnp.sum(partials)

# --- scband reference (transcript-rebuilt; emitter-appended) ---
"""Pipeline reference for scband-close-to-positions-at-time-38216619000342 (READ-ONLY COPY).

The authoritative reference and input builder live on the scoring server;
editing this copy changes nothing except your own understanding.
"""

import jax, jax.numpy as jnp
import numpy as np

T = 2097152
K = 1048576
D = 3

def setup_inputs(seed: int = 0) -> dict:
    key = jax.random.key(seed)
    k1, k2 = jax.random.split(key, 2)
    xt = jax.random.normal(k1, (T, D), dtype=jnp.float32)
    indices = jax.random.randint(k2, (K,), 0, T, dtype=jnp.int64)
    dest = jnp.array([[0.5, -0.3]], dtype=jnp.float32)
    return {"xt": xt, "indices": indices, "dest": dest}

def reference(xt, indices, dest):
    # Original torch forward (else-branch, since xt.shape[1] == 3 != 2):
    #   torch.sum(torch.sum(torch.square(xt[self.indices, 0:2] - self.dest), dim=1))
    sel = xt[indices, 0:2]                      # gather rows, first two feature cols -> [K, 2]
    diff = sel - dest                           # broadcast [1, 2] target
    return jnp.sum(jnp.sum(jnp.square(diff), axis=1))

if __name__ == "__main__":
    import jax
    _d = setup_inputs()
    print(jax.jit(kernel)(*tuple(_d.values())))

</pallas_src>

<mosaic_0001>
#map = affine_map<(d0, d1) -> (0)>
#map1 = affine_map<(d0, d1) -> (0, 0)>
module attributes {stable_mosaic.version = 14 : i64} {
  func.func @_sc_body(%arg0: i32, %arg1: i32, %arg2: memref<2097152xf32, #tpu.memory_space<hbm>>, %arg3: memref<2097152xf32, #tpu.memory_space<hbm>>, %arg4: memref<1048576xi32, #tpu.memory_space<hbm>>, %arg5: memref<16xf32, #tpu.memory_space<hbm>>, %arg6: memref<16xf32, #tpu.memory_space<hbm>>, %arg7: memref<32x16xf32, #tpu.memory_space<hbm>>, %arg8: memref<32768xi32, #tpu.memory_space<vmem>>, %arg9: memref<32768xf32, #tpu.memory_space<vmem>>, %arg10: memref<32768xf32, #tpu.memory_space<vmem>>, %arg11: memref<16xf32, #tpu.memory_space<vmem>>, %arg12: memref<16xf32, #tpu.memory_space<vmem>>, %arg13: memref<16xf32, #tpu.memory_space<vmem>>, %arg14: memref<!tpu.dma_semaphore, #tpu.memory_space<semaphore_mem>>, %arg15: memref<!tpu.dma_semaphore, #tpu.memory_space<semaphore_mem>>, %arg16: memref<!tpu.dma_semaphore, #tpu.memory_space<semaphore_mem>>, %arg17: memref<!tpu.dma_semaphore, #tpu.memory_space<semaphore_mem>>) attributes {dimension_semantics = [#tpu.dimension_semantics<core_parallel>, #tpu.dimension_semantics<subcore_parallel>], iteration_bounds = array<i64: 2, 16>, scalar_prefetch = 0 : i64, scratch_operands = 10 : i64, tpu.core_type = #tpu.core_type<sc_vector_subcore>, window_params = [{transform_indices = #map}, {transform_indices = #map}, {transform_indices = #map}, {transform_indices = #map}, {transform_indices = #map}, {transform_indices = #map1}]} {
    %mul3A = arith.constant 2 : i32
    %mul3A_0 = arith.muli %arg1, %mul3A : i32
    %add3A = arith.addi %mul3A_0, %arg0 : i32
    %mul3A_1 = arith.constant 32768 : i32
    %mul3A_2 = arith.muli %add3A, %mul3A_1 : i32
    "tpu.region"() ({
      %run_scoped3A = tpu.sem_alloc : memref<!tpu.dma_semaphore, #tpu.memory_space<semaphore_mem>>
      %dma_start3A_84 = tpu.memref_slice %arg4[%mul3A_2] : memref<1048576xi32, #tpu.memory_space<hbm>> -> memref<32768xi32, #tpu.memory_space<hbm>>
      %dma_start3A_85 = tpu.memref_slice %arg4[%mul3A_2] : memref<1048576xi32, #tpu.memory_space<hbm>> -> memref<32768xi32, #tpu.memory_space<hbm>>
      tpu.enqueue_dma source(%dma_start3A_85 : memref<32768xi32, #tpu.memory_space<hbm>>) target(%arg8 : memref<32768xi32, #tpu.memory_space<vmem>>) target_semaphore(%run_scoped3A : memref<!tpu.dma_semaphore, #tpu.memory_space<semaphore_mem>>)
      %dma_wait3A_86 = tpu.memref_slice %arg4[%mul3A_2] : memref<1048576xi32, #tpu.memory_space<hbm>> -> memref<32768xi32, #tpu.memory_space<hbm>>
      %dma_wait3A_87 = tpu.memref_slice %arg4[%mul3A_2] : memref<1048576xi32, #tpu.memory_space<hbm>> -> memref<32768xi32, #tpu.memory_space<hbm>>
      tpu.wait_dma2 semaphore(%run_scoped3A : memref<!tpu.dma_semaphore, #tpu.memory_space<semaphore_mem>>) src(%dma_wait3A_87 : memref<32768xi32, #tpu.memory_space<hbm>>) dst(%arg8 : memref<32768xi32, #tpu.memory_space<vmem>>)
      tpu.yield
    }) : () -> ()
    %dma_start3A = arith.constant 0 : i32
    %dma_start3A_3 = tpu.memref_slice %arg9[%dma_start3A] : memref<32768xf32, #tpu.memory_space<vmem>> -> memref<16384xf32, #tpu.memory_space<vmem>>
    %dma_start3A_4 = arith.constant 0 : i32
    %dma_start3A_5 = tpu.memref_slice %arg8[%dma_start3A_4] : memref<32768xi32, #tpu.memory_space<vmem>> -> memref<16384xi32, #tpu.memory_space<vmem>>
    %dma_start3A_6 = arith.constant 0 : i32
    %dma_start3A_7 = tpu.memref_slice %arg2[%dma_start3A_6] : memref<2097152xf32, #tpu.memory_space<hbm>> -> memref<2097152xf32, #tpu.memory_space<hbm>>
    tpu.enqueue_indirect_dma source(%dma_start3A_7 : memref<2097152xf32, #tpu.memory_space<hbm>>) target(%dma_start3A_3 : memref<16384xf32, #tpu.memory_space<vmem>>) offsets(%dma_start3A_5 : memref<16384xi32, #tpu.memory_space<vmem>>) semaphore(%arg14 : memref<!tpu.dma_semaphore, #tpu.memory_space<semaphore_mem>>)
    %dma_start3A_8 = arith.constant 0 : i32
    %dma_start3A_9 = tpu.memref_slice %arg10[%dma_start3A_8] : memref<32768xf32, #tpu.memory_space<vmem>> -> memref<16384xf32, #tpu.memory_space<vmem>>
    %dma_start3A_10 = arith.constant 0 : i32
    %dma_start3A_11 = tpu.memref_slice %arg8[%dma_start3A_10] : memref<32768xi32, #tpu.memory_space<vmem>> -> memref<16384xi32, #tpu.memory_space<vmem>>
    %dma_start3A_12 = arith.constant 0 : i32
    %dma_start3A_13 = tpu.memref_slice %arg3[%dma_start3A_12] : memref<2097152xf32, #tpu.memory_space<hbm>> -> memref<2097152xf32, #tpu.memory_space<hbm>>
    tpu.enqueue_indirect_dma source(%dma_start3A_13 : memref<2097152xf32, #tpu.memory_space<hbm>>) target(%dma_start3A_9 : memref<16384xf32, #tpu.memory_space<vmem>>) offsets(%dma_start3A_11 : memref<16384xi32, #tpu.memory_space<vmem>>) semaphore(%arg15 : memref<!tpu.dma_semaphore, #tpu.memory_space<semaphore_mem>>)
    %dma_start3A_14 = arith.constant 16384 : i32
    %dma_start3A_15 = tpu.memref_slice %arg9[%dma_start3A_14] : memref<32768xf32, #tpu.memory_space<vmem>> -> memref<16384xf32, #tpu.memory_space<vmem>>
    %dma_start3A_16 = arith.constant 16384 : i32
    %dma_start3A_17 = tpu.memref_slice %arg8[%dma_start3A_16] : memref<32768xi32, #tpu.memory_space<vmem>> -> memref<16384xi32, #tpu.memory_space<vmem>>
    %dma_start3A_18 = arith.constant 0 : i32
    %dma_start3A_19 = tpu.memref_slice %arg2[%dma_start3A_18] : memref<2097152xf32, #tpu.memory_space<hbm>> -> memref<2097152xf32, #tpu.memory_space<hbm>>
    tpu.enqueue_indirect_dma source(%dma_start3A_19 : memref<2097152xf32, #tpu.memory_space<hbm>>) target(%dma_start3A_15 : memref<16384xf32, #tpu.memory_space<vmem>>) offsets(%dma_start3A_17 : memref<16384xi32, #tpu.memory_space<vmem>>) semaphore(%arg16 : memref<!tpu.dma_semaphore, #tpu.memory_space<semaphore_mem>>)
    %dma_start3A_20 = arith.constant 16384 : i32
    %dma_start3A_21 = tpu.memref_slice %arg10[%dma_start3A_20] : memref<32768xf32, #tpu.memory_space<vmem>> -> memref<16384xf32, #tpu.memory_space<vmem>>
    %dma_start3A_22 = arith.constant 16384 : i32
    %dma_start3A_23 = tpu.memref_slice %arg8[%dma_start3A_22] : memref<32768xi32, #tpu.memory_space<vmem>> -> memref<16384xi32, #tpu.memory_space<vmem>>
    %dma_start3A_24 = arith.constant 0 : i32
    %dma_start3A_25 = tpu.memref_slice %arg3[%dma_start3A_24] : memref<2097152xf32, #tpu.memory_space<hbm>> -> memref<2097152xf32, #tpu.memory_space<hbm>>
    tpu.enqueue_indirect_dma source(%dma_start3A_25 : memref<2097152xf32, #tpu.memory_space<hbm>>) target(%dma_start3A_21 : memref<16384xf32, #tpu.memory_space<vmem>>) offsets(%dma_start3A_23 : memref<16384xi32, #tpu.memory_space<vmem>>) semaphore(%arg17 : memref<!tpu.dma_semaphore, #tpu.memory_space<semaphore_mem>>)
    "tpu.region"() ({
      %run_scoped3A = tpu.sem_alloc : memref<!tpu.dma_semaphore, #tpu.memory_space<semaphore_mem>>
      tpu.enqueue_dma source(%arg5 : memref<16xf32, #tpu.memory_space<hbm>>) target(%arg11 : memref<16xf32, #tpu.memory_space<vmem>>) target_semaphore(%run_scoped3A : memref<!tpu.dma_semaphore, #tpu.memory_space<semaphore_mem>>)
      tpu.wait_dma2 semaphore(%run_scoped3A : memref<!tpu.dma_semaphore, #tpu.memory_space<semaphore_mem>>) src(%arg5 : memref<16xf32, #tpu.memory_space<hbm>>) dst(%arg11 : memref<16xf32, #tpu.memory_space<vmem>>)
      tpu.yield
    }) : () -> ()
    "tpu.region"() ({
      %run_scoped3A = tpu.sem_alloc : memref<!tpu.dma_semaphore, #tpu.memory_space<semaphore_mem>>
      tpu.enqueue_dma source(%arg6 : memref<16xf32, #tpu.memory_space<hbm>>) target(%arg12 : memref<16xf32, #tpu.memory_space<vmem>>) target_semaphore(%run_scoped3A : memref<!tpu.dma_semaphore, #tpu.memory_space<semaphore_mem>>)
      tpu.wait_dma2 semaphore(%run_scoped3A : memref<!tpu.dma_semaphore, #tpu.memory_space<semaphore_mem>>) src(%arg6 : memref<16xf32, #tpu.memory_space<hbm>>) dst(%arg12 : memref<16xf32, #tpu.memory_space<vmem>>)
      tpu.yield
    }) : () -> ()
    %get3A = arith.constant 0 : index
    %get3A_26 = tpu.vector_load %arg11[%get3A] {strides = array<i32>} : memref<16xf32, #tpu.memory_space<vmem>>, vector<16xf32>,
    %get3A_27 = arith.constant 0 : index
    %get3A_28 = tpu.vector_load %arg12[%get3A_27] {strides = array<i32>} : memref<16xf32, #tpu.memory_space<vmem>>, vector<16xf32>,
    %broadcast_in_dim3A = arith.constant 0.000000e+00 : f32
    %broadcast_in_dim3A_29 = vector.broadcast %broadcast_in_dim3A : f32 to vector<16xf32>
    %dma_wait3A = arith.constant 0 : i32
    %dma_wait3A_30 = tpu.memref_slice %arg9[%dma_wait3A] : memref<32768xf32, #tpu.memory_space<vmem>> -> memref<16384xf32, #tpu.memory_space<vmem>>
    %dma_wait3A_31 = arith.constant 0 : i32
    %dma_wait3A_32 = tpu.memref_slice %arg8[%dma_wait3A_31] : memref<32768xi32, #tpu.memory_space<vmem>> -> memref<16384xi32, #tpu.memory_space<vmem>>
    %dma_wait3A_33 = arith.constant 0 : i32
    %dma_wait3A_34 = tpu.memref_slice %arg2[%dma_wait3A_33] : memref<2097152xf32, #tpu.memory_space<hbm>> -> memref<2097152xf32, #tpu.memory_space<hbm>>
    tpu.wait_indirect_dma semaphore(%arg14 : memref<!tpu.dma_semaphore, #tpu.memory_space<semaphore_mem>>) src(%dma_wait3A_34 : memref<2097152xf32, #tpu.memory_space<hbm>>) dst(%dma_wait3A_30 : memref<16384xf32, #tpu.memory_space<vmem>>)
    %scan3A = arith.constant 0 : i32
    %scan3A_35 = arith.constant 128 : i32
    %scan3A_36 = arith.addi %scan3A, %scan3A_35 : i32
    %scan3A_37 = arith.constant 1 : i32
    %scan3A_38:8 = scf.for %scan3A_84 = %scan3A to %scan3A_36 step %scan3A_37 iter_args(%scan3A_85 = %broadcast_in_dim3A_29, %scan3A_86 = %broadcast_in_dim3A_29, %scan3A_87 = %broadcast_in_dim3A_29, %scan3A_88 = %broadcast_in_dim3A_29, %scan3A_89 = %broadcast_in_dim3A_29, %scan3A_90 = %broadcast_in_dim3A_29, %scan3A_91 = %broadcast_in_dim3A_29, %scan3A_92 = %broadcast_in_dim3A_29) -> (vector<16xf32>, vector<16xf32>, vector<16xf32>, vector<16xf32>, vector<16xf32>, vector<16xf32>, vector<16xf32>, vector<16xf32>)  : i32 {
      %mul3A_93 = arith.constant 128 : i32
      %mul3A_94 = arith.muli %scan3A_84, %mul3A_93 : i32
      %add3A_95 = arith.constant 0 : i32
      %add3A_96 = arith.addi %mul3A_94, %add3A_95 : i32
      %get3A_97 = arith.index_cast %add3A_96 : i32 to index
      %get3A_98 = tpu.vector_load %arg9[%get3A_97] {strides = array<i32>} : memref<32768xf32, #tpu.memory_space<vmem>>, vector<16xf32>,
      %sub3A = arith.subf %get3A_98, %get3A_26 : vector<16xf32>
      %mul3A_99 = arith.mulf %sub3A, %sub3A : vector<16xf32>
      %add3A_100 = arith.addf %scan3A_85, %mul3A_99 : vector<16xf32>
      %add3A_101 = arith.constant 16 : i32
      %add3A_102 = arith.addi %mul3A_94, %add3A_101 : i32
      %get3A_103 = arith.index_cast %add3A_102 : i32 to index
      %get3A_104 = tpu.vector_load %arg9[%get3A_103] {strides = array<i32>} : memref<32768xf32, #tpu.memory_space<vmem>>, vector<16xf32>,
      %sub3A_105 = arith.subf %get3A_104, %get3A_26 : vector<16xf32>
      %mul3A_106 = arith.mulf %sub3A_105, %sub3A_105 : vector<16xf32>
      %add3A_107 = arith.addf %scan3A_86, %mul3A_106 : vector<16xf32>
      %add3A_108 = arith.constant 32 : i32
      %add3A_109 = arith.addi %mul3A_94, %add3A_108 : i32
      %get3A_110 = arith.index_cast %add3A_109 : i32 to index
      %get3A_111 = tpu.vector_load %arg9[%get3A_110] {strides = array<i32>} : memref<32768xf32, #tpu.memory_space<vmem>>, vector<16xf32>,
      %sub3A_112 = arith.subf %get3A_111, %get3A_26 : vector<16xf32>
      %mul3A_113 = arith.mulf %sub3A_112, %sub3A_112 : vector<16xf32>
      %add3A_114 = arith.addf %scan3A_87, %mul3A_113 : vector<16xf32>
      %add3A_115 = arith.constant 48 : i32
      %add3A_116 = arith.addi %mul3A_94, %add3A_115 : i32
      %get3A_117 = arith.index_cast %add3A_116 : i32 to index
      %get3A_118 = tpu.vector_load %arg9[%get3A_117] {strides = array<i32>} : memref<32768xf32, #tpu.memory_space<vmem>>, vector<16xf32>,
      %sub3A_119 = arith.subf %get3A_118, %get3A_26 : vector<16xf32>
      %mul3A_120 = arith.mulf %sub3A_119, %sub3A_119 : vector<16xf32>
      %add3A_121 = arith.addf %scan3A_88, %mul3A_120 : vector<16xf32>
      %add3A_122 = arith.constant 64 : i32
      %add3A_123 = arith.addi %mul3A_94, %add3A_122 : i32
      %get3A_124 = arith.index_cast %add3A_123 : i32 to index
      %get3A_125 = tpu.vector_load %arg9[%get3A_124] {strides = array<i32>} : memref<32768xf32, #tpu.memory_space<vmem>>, vector<16xf32>,
      %sub3A_126 = arith.subf %get3A_125, %get3A_26 : vector<16xf32>
      %mul3A_127 = arith.mulf %sub3A_126, %sub3A_126 : vector<16xf32>
      %add3A_128 = arith.addf %scan3A_89, %mul3A_127 : vector<16xf32>
      %add3A_129 = arith.constant 80 : i32
      %add3A_130 = arith.addi %mul3A_94, %add3A_129 : i32
      %get3A_131 = arith.index_cast %add3A_130 : i32 to index
      %get3A_132 = tpu.vector_load %arg9[%get3A_131] {strides = array<i32>} : memref<32768xf32, #tpu.memory_space<vmem>>, vector<16xf32>,
      %sub3A_133 = arith.subf %get3A_132, %get3A_26 : vector<16xf32>
      %mul3A_134 = arith.mulf %sub3A_133, %sub3A_133 : vector<16xf32>
      %add3A_135 = arith.addf %scan3A_90, %mul3A_134 : vector<16xf32>
      %add3A_136 = arith.constant 96 : i32
      %add3A_137 = arith.addi %mul3A_94, %add3A_136 : i32
      %get3A_138 = arith.index_cast %add3A_137 : i32 to index
      %get3A_139 = tpu.vector_load %arg9[%get3A_138] {strides = array<i32>} : memref<32768xf32, #tpu.memory_space<vmem>>, vector<16xf32>,
      %sub3A_140 = arith.subf %get3A_139, %get3A_26 : vector<16xf32>
      %mul3A_141 = arith.mulf %sub3A_140, %sub3A_140 : vector<16xf32>
      %add3A_142 = arith.addf %scan3A_91, %mul3A_141 : vector<16xf32>
      %add3A_143 = arith.constant 112 : i32
      %add3A_144 = arith.addi %mul3A_94, %add3A_143 : i32
      %get3A_145 = arith.index_cast %add3A_144 : i32 to index
      %get3A_146 = tpu.vector_load %arg9[%get3A_145] {strides = array<i32>} : memref<32768xf32, #tpu.memory_space<vmem>>, vector<16xf32>,
      %sub3A_147 = arith.subf %get3A_146, %get3A_26 : vector<16xf32>
      %mul3A_148 = arith.mulf %sub3A_147, %sub3A_147 : vector<16xf32>
      %add3A_149 = arith.addf %scan3A_92, %mul3A_148 : vector<16xf32>
      scf.yield %add3A_100, %add3A_107, %add3A_114, %add3A_121, %add3A_128, %add3A_135, %add3A_142, %add3A_149 : vector<16xf32>, vector<16xf32>, vector<16xf32>, vector<16xf32>, vector<16xf32>, vector<16xf32>, vector<16xf32>, vector<16xf32>
    }
    %scan3A_39 = arith.constant 128 : i32
    %dma_wait3A_40 = arith.constant 0 : i32
    %dma_wait3A_41 = tpu.memref_slice %arg10[%dma_wait3A_40] : memref<32768xf32, #tpu.memory_space<vmem>> -> memref<16384xf32, #tpu.memory_space<vmem>>
    %dma_wait3A_42 = arith.constant 0 : i32
    %dma_wait3A_43 = tpu.memref_slice %arg8[%dma_wait3A_42] : memref<32768xi32, #tpu.memory_space<vmem>> -> memref<16384xi32, #tpu.memory_space<vmem>>
    %dma_wait3A_44 = arith.constant 0 : i32
    %dma_wait3A_45 = tpu.memref_slice %arg3[%dma_wait3A_44] : memref<2097152xf32, #tpu.memory_space<hbm>> -> memref<2097152xf32, #tpu.memory_space<hbm>>
    tpu.wait_indirect_dma semaphore(%arg15 : memref<!tpu.dma_semaphore, #tpu.memory_space<semaphore_mem>>) src(%dma_wait3A_45 : memref<2097152xf32, #tpu.memory_space<hbm>>) dst(%dma_wait3A_41 : memref<16384xf32, #tpu.memory_space<vmem>>)
    %scan3A_46 = arith.constant 0 : i32
    %scan3A_47 = arith.constant 128 : i32
    %scan3A_48 = arith.addi %scan3A_46, %scan3A_47 : i32
    %scan3A_49 = arith.constant 1 : i32
    %scan3A_50:8 = scf.for %scan3A_84 = %scan3A_46 to %scan3A_48 step %scan3A_49 iter_args(%scan3A_85 = %scan3A_38#0, %scan3A_86 = %scan3A_38#1, %scan3A_87 = %scan3A_38#2, %scan3A_88 = %scan3A_38#3, %scan3A_89 = %scan3A_38#4, %scan3A_90 = %scan3A_38#5, %scan3A_91 = %scan3A_38#6, %scan3A_92 = %scan3A_38#7) -> (vector<16xf32>, vector<16xf32>, vector<16xf32>, vector<16xf32>, vector<16xf32>, vector<16xf32>, vector<16xf32>, vector<16xf32>)  : i32 {
      %mul3A_93 = arith.constant 128 : i32
      %mul3A_94 = arith.muli %scan3A_84, %mul3A_93 : i32
      %add3A_95 = arith.constant 0 : i32
      %add3A_96 = arith.addi %mul3A_94, %add3A_95 : i32
      %get3A_97 = arith.index_cast %add3A_96 : i32 to index
      %get3A_98 = tpu.vector_load %arg10[%get3A_97] {strides = array<i32>} : memref<32768xf32, #tpu.memory_space<vmem>>, vector<16xf32>,
      %sub3A = arith.subf %get3A_98, %get3A_28 : vector<16xf32>
      %mul3A_99 = arith.mulf %sub3A, %sub3A : vector<16xf32>
      %add3A_100 = arith.addf %scan3A_85, %mul3A_99 : vector<16xf32>
      %add3A_101 = arith.constant 16 : i32
      %add3A_102 = arith.addi %mul3A_94, %add3A_101 : i32
      %get3A_103 = arith.index_cast %add3A_102 : i32 to index
      %get3A_104 = tpu.vector_load %arg10[%get3A_103] {strides = array<i32>} : memref<32768xf32, #tpu.memory_space<vmem>>, vector<16xf32>,
      %sub3A_105 = arith.subf %get3A_104, %get3A_28 : vector<16xf32>
      %mul3A_106 = arith.mulf %sub3A_105, %sub3A_105 : vector<16xf32>
      %add3A_107 = arith.addf %scan3A_86, %mul3A_106 : vector<16xf32>
      %add3A_108 = arith.constant 32 : i32
      %add3A_109 = arith.addi %mul3A_94, %add3A_108 : i32
      %get3A_110 = arith.index_cast %add3A_109 : i32 to index
      %get3A_111 = tpu.vector_load %arg10[%get3A_110] {strides = array<i32>} : memref<32768xf32, #tpu.memory_space<vmem>>, vector<16xf32>,
      %sub3A_112 = arith.subf %get3A_111, %get3A_28 : vector<16xf32>
      %mul3A_113 = arith.mulf %sub3A_112, %sub3A_112 : vector<16xf32>
      %add3A_114 = arith.addf %scan3A_87, %mul3A_113 : vector<16xf32>
      %add3A_115 = arith.constant 48 : i32
      %add3A_116 = arith.addi %mul3A_94, %add3A_115 : i32
      %get3A_117 = arith.index_cast %add3A_116 : i32 to index
      %get3A_118 = tpu.vector_load %arg10[%get3A_117] {strides = array<i32>} : memref<32768xf32, #tpu.memory_space<vmem>>, vector<16xf32>,
      %sub3A_119 = arith.subf %get3A_118, %get3A_28 : vector<16xf32>
      %mul3A_120 = arith.mulf %sub3A_119, %sub3A_119 : vector<16xf32>
      %add3A_121 = arith.addf %scan3A_88, %mul3A_120 : vector<16xf32>
      %add3A_122 = arith.constant 64 : i32
      %add3A_123 = arith.addi %mul3A_94, %add3A_122 : i32
      %get3A_124 = arith.index_cast %add3A_123 : i32 to index
      %get3A_125 = tpu.vector_load %arg10[%get3A_124] {strides = array<i32>} : memref<32768xf32, #tpu.memory_space<vmem>>, vector<16xf32>,
      %sub3A_126 = arith.subf %get3A_125, %get3A_28 : vector<16xf32>
      %mul3A_127 = arith.mulf %sub3A_126, %sub3A_126 : vector<16xf32>
      %add3A_128 = arith.addf %scan3A_89, %mul3A_127 : vector<16xf32>
      %add3A_129 = arith.constant 80 : i32
      %add3A_130 = arith.addi %mul3A_94, %add3A_129 : i32
      %get3A_131 = arith.index_cast %add3A_130 : i32 to index
      %get3A_132 = tpu.vector_load %arg10[%get3A_131] {strides = array<i32>} : memref<32768xf32, #tpu.memory_space<vmem>>, vector<16xf32>,
      %sub3A_133 = arith.subf %get3A_132, %get3A_28 : vector<16xf32>
      %mul3A_134 = arith.mulf %sub3A_133, %sub3A_133 : vector<16xf32>
      %add3A_135 = arith.addf %scan3A_90, %mul3A_134 : vector<16xf32>
      %add3A_136 = arith.constant 96 : i32
      %add3A_137 = arith.addi %mul3A_94, %add3A_136 : i32
      %get3A_138 = arith.index_cast %add3A_137 : i32 to index
      %get3A_139 = tpu.vector_load %arg10[%get3A_138] {strides = array<i32>} : memref<32768xf32, #tpu.memory_space<vmem>>, vector<16xf32>,
      %sub3A_140 = arith.subf %get3A_139, %get3A_28 : vector<16xf32>
      %mul3A_141 = arith.mulf %sub3A_140, %sub3A_140 : vector<16xf32>
      %add3A_142 = arith.addf %scan3A_91, %mul3A_141 : vector<16xf32>
      %add3A_143 = arith.constant 112 : i32
      %add3A_144 = arith.addi %mul3A_94, %add3A_143 : i32
      %get3A_145 = arith.index_cast %add3A_144 : i32 to index
      %get3A_146 = tpu.vector_load %arg10[%get3A_145] {strides = array<i32>} : memref<32768xf32, #tpu.memory_space<vmem>>, vector<16xf32>,
      %sub3A_147 = arith.subf %get3A_146, %get3A_28 : vector<16xf32>
      %mul3A_148 = arith.mulf %sub3A_147, %sub3A_147 : vector<16xf32>
      %add3A_149 = arith.addf %scan3A_92, %mul3A_148 : vector<16xf32>
      scf.yield %add3A_100, %add3A_107, %add3A_114, %add3A_121, %add3A_128, %add3A_135, %add3A_142, %add3A_149 : vector<16xf32>, vector<16xf32>, vector<16xf32>, vector<16xf32>, vector<16xf32>, vector<16xf32>, vector<16xf32>, vector<16xf32>
    }
    %scan3A_51 = arith.constant 128 : i32
    %dma_wait3A_52 = arith.constant 16384 : i32
    %dma_wait3A_53 = tpu.memref_slice %arg9[%dma_wait3A_52] : memref<32768xf32, #tpu.memory_space<vmem>> -> memref<16384xf32, #tpu.memory_space<vmem>>
    %dma_wait3A_54 = arith.constant 16384 : i32
    %dma_wait3A_55 = tpu.memref_slice %arg8[%dma_wait3A_54] : memref<32768xi32, #tpu.memory_space<vmem>> -> memref<16384xi32, #tpu.memory_space<vmem>>
    %dma_wait3A_56 = arith.constant 0 : i32
    %dma_wait3A_57 = tpu.memref_slice %arg2[%dma_wait3A_56] : memref<2097152xf32, #tpu.memory_space<hbm>> -> memref<2097152xf32, #tpu.memory_space<hbm>>
    tpu.wait_indirect_dma semaphore(%arg16 : memref<!tpu.dma_semaphore, #tpu.memory_space<semaphore_mem>>) src(%dma_wait3A_57 : memref<2097152xf32, #tpu.memory_space<hbm>>) dst(%dma_wait3A_53 : memref<16384xf32, #tpu.memory_space<vmem>>)
    %scan3A_58 = arith.constant 128 : i32
    %scan3A_59 = arith.constant 128 : i32
    %scan3A_60 = arith.addi %scan3A_58, %scan3A_59 : i32
    %scan3A_61 = arith.constant 1 : i32
    %scan3A_62:8 = scf.for %scan3A_84 = %scan3A_58 to %scan3A_60 step %scan3A_61 iter_args(%scan3A_85 = %scan3A_50#0, %scan3A_86 = %scan3A_50#1, %scan3A_87 = %scan3A_50#2, %scan3A_88 = %scan3A_50#3, %scan3A_89 = %scan3A_50#4, %scan3A_90 = %scan3A_50#5, %scan3A_91 = %scan3A_50#6, %scan3A_92 = %scan3A_50#7) -> (vector<16xf32>, vector<16xf32>, vector<16xf32>, vector<16xf32>, vector<16xf32>, vector<16xf32>, vector<16xf32>, vector<16xf32>)  : i32 {
      %mul3A_93 = arith.constant 128 : i32
      %mul3A_94 = arith.muli %scan3A_84, %mul3A_93 : i32
      %add3A_95 = arith.constant 0 : i32
      %add3A_96 = arith.addi %mul3A_94, %add3A_95 : i32
      %get3A_97 = arith.index_cast %add3A_96 : i32 to index
      %get3A_98 = tpu.vector_load %arg9[%get3A_97] {strides = array<i32>} : memref<32768xf32, #tpu.memory_space<vmem>>, vector<16xf32>,
      %sub3A = arith.subf %get3A_98, %get3A_26 : vector<16xf32>
      %mul3A_99 = arith.mulf %sub3A, %sub3A : vector<16xf32>
      %add3A_100 = arith.addf %scan3A_85, %mul3A_99 : vector<16xf32>
      %add3A_101 = arith.constant 16 : i32
      %add3A_102 = arith.addi %mul3A_94, %add3A_101 : i32
      %get3A_103 = arith.index_cast %add3A_102 : i32 to index
      %get3A_104 = tpu.vector_load %arg9[%get3A_103] {strides = array<i32>} : memref<32768xf32, #tpu.memory_space<vmem>>, vector<16xf32>,
      %sub3A_105 = arith.subf %get3A_104, %get3A_26 : vector<16xf32>
      %mul3A_106 = arith.mulf %sub3A_105, %sub3A_105 : vector<16xf32>
      %add3A_107 = arith.addf %scan3A_86, %mul3A_106 : vector<16xf32>
      %add3A_108 = arith.constant 32 : i32
      %add3A_109 = arith.addi %mul3A_94, %add3A_108 : i32
      %get3A_110 = arith.index_cast %add3A_109 : i32 to index
      %get3A_111 = tpu.vector_load %arg9[%get3A_110] {strides = array<i32>} : memref<32768xf32, #tpu.memory_space<vmem>>, vector<16xf32>,
      %sub3A_112 = arith.subf %get3A_111, %get3A_26 : vector<16xf32>
      %mul3A_113 = arith.mulf %sub3A_112, %sub3A_112 : vector<16xf32>
      %add3A_114 = arith.addf %scan3A_87, %mul3A_113 : vector<16xf32>
      %add3A_115 = arith.constant 48 : i32
      %add3A_116 = arith.addi %mul3A_94, %add3A_115 : i32
      %get3A_117 = arith.index_cast %add3A_116 : i32 to index
      %get3A_118 = tpu.vector_load %arg9[%get3A_117] {strides = array<i32>} : memref<32768xf32, #tpu.memory_space<vmem>>, vector<16xf32>,
      %sub3A_119 = arith.subf %get3A_118, %get3A_26 : vector<16xf32>
      %mul3A_120 = arith.mulf %sub3A_119, %sub3A_119 : vector<16xf32>
      %add3A_121 = arith.addf %scan3A_88, %mul3A_120 : vector<16xf32>
      %add3A_122 = arith.constant 64 : i32
      %add3A_123 = arith.addi %mul3A_94, %add3A_122 : i32
      %get3A_124 = arith.index_cast %add3A_123 : i32 to index
      %get3A_125 = tpu.vector_load %arg9[%get3A_124] {strides = array<i32>} : memref<32768xf32, #tpu.memory_space<vmem>>, vector<16xf32>,
      %sub3A_126 = arith.subf %get3A_125, %get3A_26 : vector<16xf32>
      %mul3A_127 = arith.mulf %sub3A_126, %sub3A_126 : vector<16xf32>
      %add3A_128 = arith.addf %scan3A_89, %mul3A_127 : vector<16xf32>
      %add3A_129 = arith.constant 80 : i32
      %add3A_130 = arith.addi %mul3A_94, %add3A_129 : i32
      %get3A_131 = arith.index_cast %add3A_130 : i32 to index
      %get3A_132 = tpu.vector_load %arg9[%get3A_131] {strides = array<i32>} : memref<32768xf32, #tpu.memory_space<vmem>>, vector<16xf32>,
      %sub3A_133 = arith.subf %get3A_132, %get3A_26 : vector<16xf32>
      %mul3A_134 = arith.mulf %sub3A_133, %sub3A_133 : vector<16xf32>
      %add3A_135 = arith.addf %scan3A_90, %mul3A_134 : vector<16xf32>
      %add3A_136 = arith.constant 96 : i32
      %add3A_137 = arith.addi %mul3A_94, %add3A_136 : i32
      %get3A_138 = arith.index_cast %add3A_137 : i32 to index
      %get3A_139 = tpu.vector_load %arg9[%get3A_138] {strides = array<i32>} : memref<32768xf32, #tpu.memory_space<vmem>>, vector<16xf32>,
      %sub3A_140 = arith.subf %get3A_139, %get3A_26 : vector<16xf32>
      %mul3A_141 = arith.mulf %sub3A_140, %sub3A_140 : vector<16xf32>
      %add3A_142 = arith.addf %scan3A_91, %mul3A_141 : vector<16xf32>
      %add3A_143 = arith.constant 112 : i32
      %add3A_144 = arith.addi %mul3A_94, %add3A_143 : i32
      %get3A_145 = arith.index_cast %add3A_144 : i32 to index
      %get3A_146 = tpu.vector_load %arg9[%get3A_145] {strides = array<i32>} : memref<32768xf32, #tpu.memory_space<vmem>>, vector<16xf32>,
      %sub3A_147 = arith.subf %get3A_146, %get3A_26 : vector<16xf32>
      %mul3A_148 = arith.mulf %sub3A_147, %sub3A_147 : vector<16xf32>
      %add3A_149 = arith.addf %scan3A_92, %mul3A_148 : vector<16xf32>
      scf.yield %add3A_100, %add3A_107, %add3A_114, %add3A_121, %add3A_128, %add3A_135, %add3A_142, %add3A_149 : vector<16xf32>, vector<16xf32>, vector<16xf32>, vector<16xf32>, vector<16xf32>, vector<16xf32>, vector<16xf32>, vector<16xf32>
    }
    %scan3A_63 = arith.constant 128 : i32
    %dma_wait3A_64 = arith.constant 16384 : i32
    %dma_wait3A_65 = tpu.memref_slice %arg10[%dma_wait3A_64] : memref<32768xf32, #tpu.memory_space<vmem>> -> memref<16384xf32, #tpu.memory_space<vmem>>
    %dma_wait3A_66 = arith.constant 16384 : i32
    %dma_wait3A_67 = tpu.memref_slice %arg8[%dma_wait3A_66] : memref<32768xi32, #tpu.memory_space<vmem>> -> memref<16384xi32, #tpu.memory_space<vmem>>
    %dma_wait3A_68 = arith.constant 0 : i32
    %dma_wait3A_69 = tpu.memref_slice %arg3[%dma_wait3A_68] : memref<2097152xf32, #tpu.memory_space<hbm>> -> memref<2097152xf32, #tpu.memory_space<hbm>>
    tpu.wait_indirect_dma semaphore(%arg17 : memref<!tpu.dma_semaphore, #tpu.memory_space<semaphore_mem>>) src(%dma_wait3A_69 : memref<2097152xf32, #tpu.memory_space<hbm>>) dst(%dma_wait3A_65 : memref<16384xf32, #tpu.memory_space<vmem>>)
    %scan3A_70 = arith.constant 128 : i32
    %scan3A_71 = arith.constant 128 : i32
    %scan3A_72 = arith.addi %scan3A_70, %scan3A_71 : i32
    %scan3A_73 = arith.constant 1 : i32
    %scan3A_74:8 = scf.for %scan3A_84 = %scan3A_70 to %scan3A_72 step %scan3A_73 iter_args(%scan3A_85 = %scan3A_62#0, %scan3A_86 = %scan3A_62#1, %scan3A_87 = %scan3A_62#2, %scan3A_88 = %scan3A_62#3, %scan3A_89 = %scan3A_62#4, %scan3A_90 = %scan3A_62#5, %scan3A_91 = %scan3A_62#6, %scan3A_92 = %scan3A_62#7) -> (vector<16xf32>, vector<16xf32>, vector<16xf32>, vector<16xf32>, vector<16xf32>, vector<16xf32>, vector<16xf32>, vector<16xf32>)  : i32 {
      %mul3A_93 = arith.constant 128 : i32
      %mul3A_94 = arith.muli %scan3A_84, %mul3A_93 : i32
      %add3A_95 = arith.constant 0 : i32
      %add3A_96 = arith.addi %mul3A_94, %add3A_95 : i32
      %get3A_97 = arith.index_cast %add3A_96 : i32 to index
      %get3A_98 = tpu.vector_load %arg10[%get3A_97] {strides = array<i32>} : memref<32768xf32, #tpu.memory_space<vmem>>, vector<16xf32>,
      %sub3A = arith.subf %get3A_98, %get3A_28 : vector<16xf32>
      %mul3A_99 = arith.mulf %sub3A, %sub3A : vector<16xf32>
      %add3A_100 = arith.addf %scan3A_85, %mul3A_99 : vector<16xf32>
      %add3A_101 = arith.constant 16 : i32
      %add3A_102 = arith.addi %mul3A_94, %add3A_101 : i32
      %get3A_103 = arith.index_cast %add3A_102 : i32 to index
      %get3A_104 = tpu.vector_load %arg10[%get3A_103] {strides = array<i32>} : memref<32768xf32, #tpu.memory_space<vmem>>, vector<16xf32>,
      %sub3A_105 = arith.subf %get3A_104, %get3A_28 : vector<16xf32>
      %mul3A_106 = arith.mulf %sub3A_105, %sub3A_105 : vector<16xf32>
      %add3A_107 = arith.addf %scan3A_86, %mul3A_106 : vector<16xf32>
      %add3A_108 = arith.constant 32 : i32
      %add3A_109 = arith.addi %mul3A_94, %add3A_108 : i32
      %get3A_110 = arith.index_cast %add3A_109 : i32 to index
      %get3A_111 = tpu.vector_load %arg10[%get3A_110] {strides = array<i32>} : memref<32768xf32, #tpu.memory_space<vmem>>, vector<16xf32>,
      %sub3A_112 = arith.subf %get3A_111, %get3A_28 : vector<16xf32>
      %mul3A_113 = arith.mulf %sub3A_112, %sub3A_112 : vector<16xf32>
      %add3A_114 = arith.addf %scan3A_87, %mul3A_113 : vector<16xf32>
      %add3A_115 = arith.constant 48 : i32
      %add3A_116 = arith.addi %mul3A_94, %add3A_115 : i32
      %get3A_117 = arith.index_cast %add3A_116 : i32 to index
      %get3A_118 = tpu.vector_load %arg10[%get3A_117] {strides = array<i32>} : memref<32768xf32, #tpu.memory_space<vmem>>, vector<16xf32>,
      %sub3A_119 = arith.subf %get3A_118, %get3A_28 : vector<16xf32>
      %mul3A_120 = arith.mulf %sub3A_119, %sub3A_119 : vector<16xf32>
      %add3A_121 = arith.addf %scan3A_88, %mul3A_120 : vector<16xf32>
      %add3A_122 = arith.constant 64 : i32
      %add3A_123 = arith.addi %mul3A_94, %add3A_122 : i32
      %get3A_124 = arith.index_cast %add3A_123 : i32 to index
      %get3A_125 = tpu.vector_load %arg10[%get3A_124] {strides = array<i32>} : memref<32768xf32, #tpu.memory_space<vmem>>, vector<16xf32>,
      %sub3A_126 = arith.subf %get3A_125, %get3A_28 : vector<16xf32>
      %mul3A_127 = arith.mulf %sub3A_126, %sub3A_126 : vector<16xf32>
      %add3A_128 = arith.addf %scan3A_89, %mul3A_127 : vector<16xf32>
      %add3A_129 = arith.constant 80 : i32
      %add3A_130 = arith.addi %mul3A_94, %add3A_129 : i32
      %get3A_131 = arith.index_cast %add3A_130 : i32 to index
      %get3A_132 = tpu.vector_load %arg10[%get3A_131] {strides = array<i32>} : memref<32768xf32, #tpu.memory_space<vmem>>, vector<16xf32>,
      %sub3A_133 = arith.subf %get3A_132, %get3A_28 : vector<16xf32>
      %mul3A_134 = arith.mulf %sub3A_133, %sub3A_133 : vector<16xf32>
      %add3A_135 = arith.addf %scan3A_90, %mul3A_134 : vector<16xf32>
      %add3A_136 = arith.constant 96 : i32
      %add3A_137 = arith.addi %mul3A_94, %add3A_136 : i32
      %get3A_138 = arith.index_cast %add3A_137 : i32 to index
      %get3A_139 = tpu.vector_load %arg10[%get3A_138] {strides = array<i32>} : memref<32768xf32, #tpu.memory_space<vmem>>, vector<16xf32>,
      %sub3A_140 = arith.subf %get3A_139, %get3A_28 : vector<16xf32>
      %mul3A_141 = arith.mulf %sub3A_140, %sub3A_140 : vector<16xf32>
      %add3A_142 = arith.addf %scan3A_91, %mul3A_141 : vector<16xf32>
      %add3A_143 = arith.constant 112 : i32
      %add3A_144 = arith.addi %mul3A_94, %add3A_143 : i32
      %get3A_145 = arith.index_cast %add3A_144 : i32 to index
      %get3A_146 = tpu.vector_load %arg10[%get3A_145] {strides = array<i32>} : memref<32768xf32, #tpu.memory_space<vmem>>, vector<16xf32>,
      %sub3A_147 = arith.subf %get3A_146, %get3A_28 : vector<16xf32>
      %mul3A_148 = arith.mulf %sub3A_147, %sub3A_147 : vector<16xf32>
      %add3A_149 = arith.addf %scan3A_92, %mul3A_148 : vector<16xf32>
      scf.yield %add3A_100, %add3A_107, %add3A_114, %add3A_121, %add3A_128, %add3A_135, %add3A_142, %add3A_149 : vector<16xf32>, vector<16xf32>, vector<16xf32>, vector<16xf32>, vector<16xf32>, vector<16xf32>, vector<16xf32>, vector<16xf32>
    }
    %scan3A_75 = arith.constant 128 : i32
    %add3A_76 = arith.addf %scan3A_74#0, %scan3A_74#1 : vector<16xf32>
    %add3A_77 = arith.addf %add3A_76, %scan3A_74#2 : vector<16xf32>
    %add3A_78 = arith.addf %add3A_77, %scan3A_74#3 : vector<16xf32>
    %add3A_79 = arith.addf %add3A_78, %scan3A_74#4 : vector<16xf32>
    %add3A_80 = arith.addf %add3A_79, %scan3A_74#5 : vector<16xf32>
    %add3A_81 = arith.addf %add3A_80, %scan3A_74#6 : vector<16xf32>
    %add3A_82 = arith.addf %add3A_81, %scan3A_74#7 : vector<16xf32>
    %swap3A = arith.constant 0 : index
    %swap3A_83 = tpu.vector_load %arg13[%swap3A] {strides = array<i32>} : memref<16xf32, #tpu.memory_space<vmem>>, vector<16xf32>,
    tpu.vector_store %arg13[%swap3A], %add3A_82 {strides = array<i32>} : memref<16xf32, #tpu.memory_space<vmem>>, vector<16xf32>,
    "tpu.region"() ({
      %run_scoped3A = tpu.sem_alloc : memref<!tpu.dma_semaphore, #tpu.memory_space<semaphore_mem>>
      %dma_start3A_84 = arith.constant 0 : i32
      %dma_start3A_85 = tpu.memref_slice %arg7[%add3A, %dma_start3A_84] : memref<32x16xf32, #tpu.memory_space<hbm>> -> memref<1x16xf32, #tpu.memory_space<hbm>>
      %dma_start3A_86 = tpu.memref_squeeze %dma_start3A_85 : memref<1x16xf32, #tpu.memory_space<hbm>> -> memref<16xf32, #tpu.memory_space<hbm>>
      %dma_start3A_87 = arith.constant 0 : i32
      %dma_start3A_88 = tpu.memref_slice %arg7[%add3A, %dma_start3A_87] : memref<32x16xf32, #tpu.memory_space<hbm>> -> memref<1x16xf32, #tpu.memory_space<hbm>>
      %dma_start3A_89 = tpu.memref_squeeze %dma_start3A_88 : memref<1x16xf32, #tpu.memory_space<hbm>> -> memref<16xf32, #tpu.memory_space<hbm>>
      tpu.enqueue_dma source(%arg13 : memref<16xf32, #tpu.memory_space<vmem>>) target(%dma_start3A_89 : memref<16xf32, #tpu.memory_space<hbm>>) target_semaphore(%run_scoped3A : memref<!tpu.dma_semaphore, #tpu.memory_space<semaphore_mem>>)
      %dma_wait3A_90 = arith.constant 0 : i32
      %dma_wait3A_91 = tpu.memref_slice %arg7[%add3A, %dma_wait3A_90] : memref<32x16xf32, #tpu.memory_space<hbm>> -> memref<1x16xf32, #tpu.memory_space<hbm>>
      %dma_wait3A_92 = tpu.memref_squeeze %dma_wait3A_91 : memref<1x16xf32, #tpu.memory_space<hbm>> -> memref<16xf32, #tpu.memory_space<hbm>>
      %dma_wait3A_93 = arith.constant 0 : i32
      %dma_wait3A_94 = tpu.memref_slice %arg7[%add3A, %dma_wait3A_93] : memref<32x16xf32, #tpu.memory_space<hbm>> -> memref<1x16xf32, #tpu.memory_space<hbm>>
      %dma_wait3A_95 = tpu.memref_squeeze %dma_wait3A_94 : memref<1x16xf32, #tpu.memory_space<hbm>> -> memref<16xf32, #tpu.memory_space<hbm>>
      tpu.wait_dma2 semaphore(%run_scoped3A : memref<!tpu.dma_semaphore, #tpu.memory_space<semaphore_mem>>) src(%arg13 : memref<16xf32, #tpu.memory_space<vmem>>) dst(%dma_wait3A_95 : memref<16xf32, #tpu.memory_space<hbm>>)
      tpu.yield
    }) : () -> ()
    return
  }
}

</mosaic_0001>

<sc_bundles>
// kernel: _sc_partials.3.cloned.1.call-start
scs
__scs_entry_jumppad:
0x0: {  	(pc) =	sbr.rel $0x88, $3  }
0x1: {  	(tag) =	ssettag $0x0;
	lr =	simm.s32 $0x1  }
0x2: {  	[smem:$0x3F9C] =	sst lr;
	_ =	strace $0xD0000000  }
0x3: {  	_ = 	snop  }
0x4: {  	_ = 	snop  }
0x5: {  	_ = 	snop  }
0x6: {  	_ = 	snop  }
0x7: {  	_ = 	snop  }
__scs_overlays_trampoline_lowered:
0x8: {  	[smem:$0x3FAB] =	sst s0  }
0x9: {  	[smem:$0x3FAC] =	sst s1  }
0xa: {  	[smem:$0x3FAD] =	sst s2  }
0xb: {  	[smem:$0x3FAE] =	sst s3  }
0xc: {  	[smem:$0x3FAF] =	sst s4  }
0xd: {  	[smem:$0x3FB0] =	sst s5  }
0xe: {  	[smem:$0x3FB1] =	sst s6  }
0xf: {  	[smem:$0x3FB2] =	sst s7  }
0x10: {  	[smem:$0x3FB3] =	sst s8  }
0x11: {  	[smem:$0x3FB4] =	sst s9;
	s0 =	simm.s32 @!p0 $0x0  }
0x12: {  	s1 =	sld [smem:$0x3F9A];
	s0 =	simm.s32 @p0 $0x1  }
0x13: {  	[smem:$0x3FB5] =	sst s0;
	s0 =	simm.s32 @!p1 $0x0  }
0x14: {  	s2 =	sld [smem:$0x3F99];
	s0 =	simm.s32 @p1 $0x1  }
0x15: {  	[smem:$0x3FB6] =	sst s0;
	s0 =	simm.s32 @!p2 $0x0  }
0x16: {  	s3 =	sld [smem:$0x3FDB];
	s0 =	simm.s32 @p2 $0x1  }
0x17: {  	s4 =	simm.s32 $0x1BF5;
	[smem:$0x3FB8] =	sst s0  }
0x18: {  	s0 =	sld [smem:$0x3F9B];
	_ =	swait.ge [sflag:s4], $0x0  }
0x19: {  	s7 =	sld [smem:$0x3F9C]  }
0x1a: {  	s8 =	sadd.s32 $0xFFFFE003, lr  }
0x1b: {  	s9 =	sadd.s32 $0xFFFFFEF7, lr;
	s5 =	simm.s32 $0xFFFFFFFF;
	p2 =	slt.u32 s8, $0xFFFFF086  }
0x1c: {  	p1 =	slt.u32 s9, $0xF7A;
	s5 =	simm.s32 @!p2 $0x0  }
0x1d: {  	s5 =	simm.s32 @p1 $0x1;
	p0 =	seq.s32 s7, s2  }
0x1e: {  	s7 =	smul.u32 @!p0 $0xF7A, s2;
	p2 =	seq.s32 @!p0 s5, $0x0  }
0x1f: {  	s9 =	smul.u32 $0xF7A, s1;
	s8 =	simm.s32 @!p0 $0x1BF5;
	p2 =	por !p2, p0  }
0x20: {  	[sflag:s8] =	ssyncset.s32 @!p0 $0xFFFFF086;
	s6 =	sadd.s32 @!p0 s3, s7;
	s7 =	simm.s32 @!p0 $0x108  }
0x21: {  	s3 =	sadd.s32 s3, s9;
	s6 =	sadd.s32 @!p0 $0x88, s6;
	s7 =	simm.s32 @p2 $0x1082  }
0x22: {  	[simem:s7], [sflag:s8] =	dma.local @!p0 [hbm:s6], $0xF7A  }
0x23: {  	s9 =	sor.u32 $0xD0000000, s2;
	s6 =	simm.s32 $0x108;
	_ =	swait.ge @!p0 [sflag:s8], $0x0  }
0x24: {  	s3 =	sadd.s32 $0x88, s3;
	s6 =	simm.s32 @!p1 $0x1082;
	[sflag:s4] =	ssyncset.s32 $0xFFFFF086  }
0x25: {  	[simem:s6], [sflag:s4] =	dma.local [hbm:s3], $0xF7A  }
0x26: {  	[smem:$0x3F9C] =	sst s1;
	(tag) =	ssettag s2;
	_ =	strace s9  }
0x27: {  	s1 =	sld [smem:$0x3FAC]  }
0x28: {  	s2 =	sld [smem:$0x3FAD]  }
0x29: {  	s4 =	sld [smem:$0x3FAF]  }
0x2a: {  	p0 =	seq.s32 s5, $0x0;
	s5 =	sld [smem:$0x3FB0]  }
0x2b: {  	s6 =	sld [smem:$0x3FB1]  }
0x2c: {  	s7 =	sld [smem:$0x3FB2]  }
0x2d: {  	s3 =	simm.s32 $0x108;
	s8 =	sld [smem:$0x3FB3]  }
0x2e: {  	s3 =	simm.s32 @!p0 $0x1082;
	s9 =	sld [smem:$0x3FB4]  }
0x2f: {  	lr =	sadd.s32 s0, s3;
	s0 =	sld [smem:$0x3FAB]  }
0x30: {  	s3 =	sld [smem:$0x3FAE]  }
0x31: {  	[smem:$0x3FB7] =	sst s10  }
0x32: {  	s10 =	sld [smem:$0x3FB5];
	_ =	sdelay $0x3  }
0x33: {  	p0 =	seq.s32 s10, $0x1;
	s10 =	sld [smem:$0x3FB7];
	_ =	sdelay $0x3  }
0x34: {  	[smem:$0x3FB7] =	sst s10  }
0x35: {  	s10 =	sld [smem:$0x3FB6];
	_ =	sdelay $0x3  }
0x36: {  	p1 =	seq.s32 s10, $0x1;
	s10 =	sld [smem:$0x3FB7];
	_ =	sdelay $0x3  }
0x37: {  	[smem:$0x3FB7] =	sst s10  }
0x38: {  	s10 =	sld [smem:$0x3FB8]  }
0x39: {  	_ = 	snop;
	(pc) =	sbr.ind lr, $3  }
0x3a: {  	_ = 	snop  }
0x3b: {  	_ = 	snop  }
0x3c: {  	p2 =	seq.s32 s10, $0x1;
	s10 =	sld [smem:$0x3FB7]  }
0x3d: {  	_ =	shalt  }
0x3e: {  	_ =	shalt  }
0x3f: {  	_ =	shalt  }
0x40: {  	_ =	shalt  }
0x41: {  	_ =	shalt  }
0x42: {  	_ =	shalt  }
0x43: {  	_ =	shalt  }
0x44: {  	_ =	shalt  }
0x45: {  	_ =	shalt  }
0x46: {  	_ =	shalt  }
0x47: {  	_ =	shalt  }
0x48: {  	_ =	shalt  }
0x49: {  	_ =	shalt  }
0x4a: {  	_ =	shalt  }
0x4b: {  	_ =	shalt  }
0x4c: {  	_ =	shalt  }
0x4d: {  	_ =	shalt  }
0x4e: {  	_ =	shalt  }
0x4f: {  	_ =	shalt  }
0x50: {  	_ =	shalt  }
0x51: {  	_ =	shalt  }
0x52: {  	_ =	shalt  }
0x53: {  	_ =	shalt  }
0x54: {  	_ =	shalt  }
0x55: {  	_ =	shalt  }
0x56: {  	_ =	shalt  }
0x57: {  	_ =	shalt  }
0x58: {  	_ =	shalt  }
0x59: {  	_ =	shalt  }
0x5a: {  	_ =	shalt  }
0x5b: {  	_ =	shalt  }
0x5c: {  	_ =	shalt  }
0x5d: {  	_ =	shalt  }
0x5e: {  	_ =	shalt  }
0x5f: {  	_ =	shalt  }
0x60: {  	_ =	shalt  }
0x61: {  	_ =	shalt  }
0x62: {  	_ =	shalt  }
0x63: {  	_ =	shalt  }
0x64: {  	_ =	shalt  }
0x65: {  	_ =	shalt  }
0x66: {  	_ =	shalt  }
0x67: {  	_ =	shalt  }
0x68: {  	_ =	shalt  }
0x69: {  	_ =	shalt  }
0x6a: {  	_ =	shalt  }
0x6b: {  	_ =	shalt  }
0x6c: {  	_ =	shalt  }
0x6d: {  	_ =	shalt  }
0x6e: {  	_ =	shalt  }
0x6f: {  	_ =	shalt  }
0x70: {  	_ =	shalt  }
0x71: {  	_ =	shalt  }
0x72: {  	_ =	shalt  }
0x73: {  	_ =	shalt  }
0x74: {  	_ =	shalt  }
0x75: {  	_ =	shalt  }
0x76: {  	_ =	shalt  }
0x77: {  	_ =	shalt  }
0x78: {  	_ =	shalt  }
0x79: {  	_ =	shalt  }
0x7a: {  	_ =	shalt  }
0x7b: {  	_ =	shalt  }
0x7c: {  	_ =	shalt  }
0x7d: {  	_ =	shalt  }
0x7e: {  	_ =	shalt  }
0x7f: {  	_ =	shalt  }
0x80: {  	_ =	shalt  }
0x81: {  	_ =	shalt  }
0x82: {  	_ =	shalt  }
0x83: {  	_ =	shalt  }
0x84: {  	_ =	shalt  }
0x85: {  	_ =	shalt  }
0x86: {  	_ =	shalt  }
0x87: {  	_ =	shalt  }
.Lfunc_end0:
.L_simem_size_0:
called_computation_lowered:
.L_overlay_start_0:
0x88: {  	s2 =	sld [smem:$0x3FD9]  }
0x89: {  	s3 =	sld [smem:$0x3FFE];
	_ =	sdelay $0x1  }
0x8a: {  	s1 =	srdreg.scid  }
0x8b: {  	s0 =	sand.u32 $0x1, s1  }
0x8c: {  	s18 =	sshll.u32 s0, $0xA;
	s2 =	sadd.s32 s3, s2  }
0x8d: {  	s2 =	sadd.s32 s2, s18  }
0x8e: {  	[smem:$0x3FC3] =	sst s2  }
0x8f: {  	_ = 	snop  }
0x90: {  	s2 =	sld [smem:$0x3FC9]  }
0x91: {  	s19 =	sld [smem:$0x3FC8]  }
0x92: {  	s4 =	sld [smem:$0x3FC7]  }
0x93: {  	s5 =	sld [smem:$0x3FC6]  }
0x94: {  	s6 =	sld [smem:$0x3FC5]  }
0x95: {  	s7 =	sld [smem:$0x3FD0];
	(tm) =	ssettm $0x1  }
0x96: {  	s8 =	sld [smem:$0x3FFB];
	_ =	sdelay $0x3  }
0x97: {  	_ =	strace s8  }
0x98: {  	s8 =	sld [smem:$0x3FFC];
	_ =	sdelay $0x3  }
0x99: {  	_ =	strace s8  }
0x9a: {  	s8 =	sld [smem:$0x3FFD];
	_ =	sdelay $0x3  }
0x9b: {  	_ =	strace s8  }
0x9c: {  	_ =	strace $0x8FFFFFFF  }
0x9d: {  	s20 =	sld [smem:$0x3FDB];
	_ =	sdelay $0x1  }
0x9e: {  	s9 =	simm.s32 $_scs_section_size  }
0x9f: {  	s10 =	simm.s32 $_size__tile_overlayer_lowered;
	s11 =	simm.s32 $_tile_overlayer_lowered  }
0xa0: {  	s23 =	simm.s32 $0x1BFF;
	s22 =	sshll.u32 s11, $0x1;
	s8 =	sadd.s32 s9, s20  }
0xa1: {  	s12 =	simm.s32 $0x0;
	s21 =	sshll.u32 s10, $0x1;
	s10 =	sadd.s32 s22, s8  }
0xa2: {  	[timem:s12], [sflag:s23] =	dma.local [hbm:s10], s21  }
0xa3: {  	_ =	swait.ge [sflag:s23], s21  }
0xa4: {  	s9 =	ssub.s32 $0x0, s21;
	[sflag:s23] =	ssyncset.done $0x0  }
0xa5: {  	[sflag:s23] =	ssyncadd.s32 s9;
	_ =	sdelay $0x1  }
0xa6: {  	s24 =	simm.s32 $0x1B8B  }
0xa7: {  	_ =	swait.ge [sflag:s24], $0x1  }
0xa8: {  	[sflag:s24] =	ssyncset.done $0x0  }
0xa9: {  	s25 =	simm.s32 $0x1B8E;
	[sflag:s24] =	ssyncadd.s32 $0xFFFFFFFF  }
0xaa: {  	s26 =	simm.s32 $execute0_lowered;
	[smem:$0x3FD2] =	sst s25  }
0xab: {  	s9 =	sshll.u32 s26, $0x1;
	_ =	strace $0x80000046;
	[dreg:$0x1] =	wrdreg $0xFFFFFFFF  }
0xac: {  	s28 =	simm.s32 $_size_execute0_lowered;
	s8 =	sadd.s32 s8, s9;
	[dreg:$0x0] =	wrdreg $0x0  }
0xad: {  	s9 =	sshll.u32 s28, $0x1;
	[dreg:$0x2] =	wrdreg s8  }
0xae: {  	[dreg:$0x3] =	wrdreg s9  }
0xaf: {  	[dreg:$0x4] =	wrdreg $0xC0  }
0xb0: {  	_ =	task [dreg:s12], $0x5FFFF  }
0xb1: {  	[dreg:$0x1] =	wrdreg $0xFFFFFFFF  }
0xb2: {  	[dreg:$0x0] =	wrdreg $0x60  }
0xb3: {  	[dreg:$0x2] =	wrdreg s2  }
0xb4: {  	[dreg:$0x3] =	wrdreg s19  }
0xb5: {  	[dreg:$0x4] =	wrdreg s4  }
0xb6: {  	[dreg:$0x5] =	wrdreg s5  }
0xb7: {  	[dreg:$0x6] =	wrdreg s6  }
0xb8: {  	[dreg:$0x7] =	wrdreg s7  }
0xb9: {  	[dreg:$0x8] =	wrdreg $0x9  }
0xba: {  	_ =	task.clear_ibuf [dreg:s12], $0x9FFFF;
	_ =	strace $0x90000046  }
0xbb: {  	s29 =	simm.s32 $0x9;
	_ =	strace $0x80000048  }
0xbc: {  	_ =	swait.ge [sflag:s29], $0x1  }
0xbd: {  	[sflag:s29] =	ssyncadd.s32 $0xFFFFFFFF  }
0xbe: {  	_ =	strace $0x90000048  }
0xbf: {  	_ =	sfence  }
0xc0: {  	s30 =	sld [smem:$0x0];
	_ =	sdelay $0x2  }
0xc1: {  	s31 =	sshll.u32 s1, $0xD;
	s1 =	sshrl.u32 s1, $0x2  }
0xc2: {  	s3 =	sand.u32 $0x4000, s31;
	s1 =	sadd.s32 s1, s30  }
0xc3: {  	s0 =	sor.u32 s3, s0;
	s1 =	sshll.u32 s1, $0x11  }
0xc4: {  	s0 =	sor.u32 s1, s0  }
0xc5: {  	s0 =	sadd.s32 $0x8F2B, s0  }
0xc6: {  	[sflag:s0] =	ssyncadd.remote.s32 $0x1  }
0xc7: {  	_ =	sfence.sel $0xFFFF  }
0xc8: {  	[dreg:$0x0] =	wrdreg $0xFFFFFFFF;
	(pc) =	sbr.abs _section_cstart, $3  }
0xc9: {  	[dreg:$0x1] =	wrdreg $0xFFFFFFFF  }
0xca: {  	_ =	task.clear_ibuf [dreg:s12], $0x2FFFF;
	_ =	strace $0x9FFFFFFF  }
0xcb: {  	(tm) =	ssettm $0x7FFFFFFF  }
tec
execute0_lowered:
.L_overlay_start_1:
0x0: {  	(tag) =	ssettag $0x1  }
0x1: {  	s1 =	rddreg [dreg:$0x0]  }
0x2: {  	s2 =	rddreg [dreg:$0x1]  }
0x3: {  	s7 =	rddreg [dreg:$0x2]  }
0x4: {  	s3 =	rddreg [dreg:$0x3]  }
0x5: {  	s4 =	rddreg [dreg:$0x4]  }
0x6: {  	s8 =	rddreg [dreg:$0x5]  }
0x7: {  	s0 =	rddreg [dreg:$0x6]  }
0x8: {  	s6 =	simm.s32 $0x0;
	s9 =	srdreg.scid;
	s5 =	stileid.u32  }
0x9: {  	s13 =	simm.s32 $0x10000;
	s14 =	simm.s32 $0xC000;
	s15 =	simm.s32 $0x14000  }
0xa: {  	s16 =	simm.s32 $0x18000;
	s17 =	simm.s32 $0x18010;
	s18 =	simm.s32 $0x1  }
0xb: {  	s19 =	simm.s32 $0x2;
	s20 =	simm.s32 $0x3;
	s21 =	simm.s32 $0x4  }
0xc: {  	s22 =	simm.s32 $0x18020;
	s23 =	simm.s32 $0x0;
	s9 =	sand.u32 $0x1, s9  }
0xd: {  	[smem:$0x7FF] =	sst s6;
	s10 =	sshll.u32 s5, $0x1;
	s11 =	ssub.s32 $0x2, s9  }
0xe: {  	_ =	strace $0x80000047;
	s9 =	sor.u32 s9, s10;
	s31 =	sshrl.u32 s11, $0x1  }
0xf: {  	s12 =	sshll.u32 s9, $0xC;
	s9 =	sshll.u32 s9, $0x1;
	s10 =	ssub.s32 s11, s31  }
0x10: {  	s7 =	sadd.s32 s7, s12;
	s8 =	sadd.s32 s8, s9;
	s11 =	simm.s32 $0x4000  }
0x11: {  	s12 =	simm.s32 $0x8000;
	s9 =	smax.u32 s10, $0x1;
	s10 =	simm.s32 $0x5  }
.LBB2_1:
0x12: {  	[tilespmem:s6], [sflag:$0x5] =	stream.linear.gather [hbm4b:s7+s6], $0x8000, $0x38;
	[tilespmem:$0x18030] =	vst v63  }
0x13: {  	_ =	swait.ge [sflag:s10], $0x8000  }
0x14: {  	[sflag:s10] =	ssyncset.done $0x0  }
0x15: {  	[sflag:s10] =	ssyncadd.s32 $0xFFFF8000  }
0x16: {  	[tilespmem:s12], [sflag:$0x1] =	stream.indirect.gather [hbm4b:s1+s11], $0x1, s6, s11, $0xb8;
	[tilespmem:$0x18030] =	vst v63  }
0x17: {  	_ = 	snop  }
0x18: {  	[tilespmem:s13], [sflag:$0x2] =	stream.indirect.gather [hbm4b:s2+s11], $0x1, s6, s11, $0xb8;
	[tilespmem:$0x18030] =	vst v63  }
0x19: {  	_ = 	snop  }
0x1a: {  	[tilespmem:s14], [sflag:$0x3] =	stream.indirect.gather [hbm4b:s1+s11], $0x1, s11, s11, $0xb8;
	[tilespmem:$0x18030] =	vst v63  }
0x1b: {  	_ = 	snop  }
0x1c: {  	[tilespmem:s15], [sflag:$0x4] =	stream.indirect.gather [hbm4b:s2+s11], $0x1, s11, s11, $0xb8;
	[tilespmem:$0x18030] =	vst v63  }
0x1d: {  	_ = 	snop  }
0x1e: {  	[tilespmem:s16], [sflag:$0x5] =	stream.linear.gather [hbm4b:s3+s6], $0x10, $0x38;
	[tilespmem:$0x18030] =	vst v63  }
0x1f: {  	_ =	swait.ge [sflag:s10], $0x10  }
0x20: {  	[sflag:s10] =	ssyncset.done $0x0  }
0x21: {  	[sflag:s10] =	ssyncadd.s32 $0xFFFFFFF0  }
0x22: {  	[tilespmem:s17], [sflag:$0x5] =	stream.linear.gather [hbm4b:s4+s6], $0x10, $0x38;
	[tilespmem:$0x18030] =	vst v63  }
0x23: {  	_ =	swait.ge [sflag:s10], $0x10  }
0x24: {  	[sflag:s10] =	ssyncset.done $0x0  }
0x25: {  	[sflag:s10] =	ssyncadd.s32 $0xFFFFFFF0  }
0x26: {  	v1 =	vld [tilespmem:$0x18000]  }
0x27: {  	v0 =	vld [tilespmem:$0x18010];
	_ =	swait.ge [sflag:s18], $0x4000  }
0x28: {  	[sflag:s18] =	ssyncset.done $0x0  }
0x29: {  	s24 =	simm.s32 $0x0;
	[sflag:s18] =	ssyncadd.s32 $0xFFFFC000  }
0x2a: {  	v2 =	vld [tilespmem:s24+$0x8070]  }
0x2b: {  	v3 =	vld [tilespmem:s24+$0x8000]  }
0x2c: {  	v4 =	vld [tilespmem:s24+$0x8010]  }
0x2d: {  	v5 =	vld [tilespmem:s24+$0x8020]  }
0x2e: {  	v6 =	vld [tilespmem:s24+$0x8030]  }
0x2f: {  	v7 =	vld [tilespmem:s24+$0x8040]  }
0x30: {  	v8 =	vld [tilespmem:s24+$0x8050]  }
0x31: {  	v9 =	vld [tilespmem:s24+$0x8060]  }
0x32: {  	v2 =	vsub.f32 v2, v1  }
0x33: {  	s26 =	simm.s32 $0x80;
	v3 =	vsub.f32 v3, v1;
	v4 =	vsub.f32 v4, v1  }
0x34: {  	v13 =	vld [tilespmem:s26+$0x8070];
	v5 =	vsub.f32 v5, v1;
	v6 =	vsub.f32 v6, v1  }
0x35: {  	v7 =	vsub.f32 v7, v1;
	v8 =	vsub.f32 v8, v1  }
0x36: {  	v14 =	vld [tilespmem:s26+$0x8000];
	v9 =	vsub.f32 v9, v1;
	v10 =	vmul.f32 v2, v2;
	v11 =	vmul.f32 v3, v3  }
0x37: {  	v17 =	vld [tilespmem:s26+$0x8010];
	v2 =	vimm.f32 $0.0e+00;
	v12 =	vmul.f32 v4, v4;
	v15 =	vmul.f32 v6, v6  }
0x38: {  	v3 =	vadd.f32 v10, v2;
	v4 =	vadd.f32 v11, v2;
	v10 =	vmul.f32 v5, v5;
	v11 =	vld [tilespmem:s26+$0x8020]  }
0x39: {  	v18 =	vsub.f32 v13, v1;
	v16 =	vmul.f32 v7, v7;
	v5 =	vadd.f32 v12, v2;
	v12 =	vld [tilespmem:s26+$0x8030]  }
0x3a: {  	v19 =	vmul.f32 v8, v8;
	v7 =	vadd.f32 v15, v2;
	v6 =	vadd.f32 v10, v2;
	v10 =	vld [tilespmem:s26+$0x8040]  }
0x3b: {  	v13 =	vld [tilespmem:s26+$0x8050];
	v15 =	vsub.f32 v14, v1;
	v8 =	vadd.f32 v16, v2;
	v16 =	vmul.f32 v9, v9  }
0x3c: {  	s25 =	simm.s32 $0x600;
	s24 =	simm.s32 $0x100;
	v17 =	vsub.f32 v17, v1;
	v18 =	vmul.f32 v18, v18;
	v14 =	vld [tilespmem:s26+$0x8060];
	v9 =	vadd.f32 v19, v2  }
.LBB2_2:
0x3d: {  	p0 =	sne.s32 s25, $0xFE00;
	v19 =	vld [tilespmem:s24+$0x8070];
	v15 =	vmul.f32 v15, v15;
	v11 =	vsub.f32 v11, v1;
	v2 =	vadd.f32 v16, v2  }
0x3e: {  	v16 =	vld [tilespmem:s24+$0x8000];
	v17 =	vmul.f32 v17, v17;
	v12 =	vsub.f32 v12, v1;
	v3 =	vadd.f32 v18, v3  }
0x3f: {  	v18 =	vld [tilespmem:s24+$0x8010];
	v4 =	vadd.f32 v15, v4;
	v15 =	vmul.f32 v11, v11;
	v10 =	vsub.f32 v10, v1  }
.Ltmp0:
0x40: {  	v11 =	vld [tilespmem:s24+$0x8020];
	v5 =	vadd.f32 v17, v5;
	v17 =	vmul.f32 v12, v12;
	v13 =	vsub.f32 v13, v1;
	(pc) =	sbr.rel @p0 .LBB2_2-.Ltmp0, $4  }
0x41: {  	v12 =	vld [tilespmem:s24+$0x8030];
	v6 =	vadd.f32 v15, v6;
	v20 =	vmul.f32 v10, v10;
	v14 =	vsub.f32 v14, v1  }
0x42: {  	v10 =	vld [tilespmem:s24+$0x8040];
	v19 =	vsub.f32 v19, v1;
	v7 =	vadd.f32 v17, v7;
	v21 =	vmul.f32 v13, v13  }
0x43: {  	v15 =	vsub.f32 v16, v1;
	v13 =	vld [tilespmem:s24+$0x8050];
	v8 =	vadd.f32 v20, v8;
	v16 =	vmul.f32 v14, v14  }
0x44: {  	v17 =	vsub.f32 v18, v1;
	v14 =	vld [tilespmem:s24+$0x8060];
	s24 =	sshra.s32 s25, $0x2;
	s25 =	sadd.s32 $0x200, s25;
	v18 =	vmul.f32 v19, v19;
	v9 =	vadd.f32 v21, v9  }
0x45: {  	v19 =	vld [tilespmem:s24+$0x8070]  }
0x46: {  	v20 =	vld [tilespmem:s24+$0x8000]  }
0x47: {  	v21 =	vld [tilespmem:s24+$0x8010];
	v15 =	vmul.f32 v15, v15;
	v11 =	vsub.f32 v11, v1;
	v2 =	vadd.f32 v16, v2  }
0x48: {  	v16 =	vld [tilespmem:s24+$0x8020];
	v17 =	vmul.f32 v17, v17;
	v12 =	vsub.f32 v12, v1;
	v3 =	vadd.f32 v18, v3  }
0x49: {  	v18 =	vld [tilespmem:s24+$0x8030];
	v4 =	vadd.f32 v15, v4;
	v11 =	vmul.f32 v11, v11;
	v10 =	vsub.f32 v10, v1  }
0x4a: {  	v15 =	vld [tilespmem:s24+$0x8040];
	v5 =	vadd.f32 v17, v5;
	v12 =	vmul.f32 v12, v12;
	v13 =	vsub.f32 v13, v1  }
0x4b: {  	v17 =	vld [tilespmem:s24+$0x8050];
	v6 =	vadd.f32 v11, v6;
	v10 =	vmul.f32 v10, v10;
	v11 =	vsub.f32 v14, v1  }
0x4c: {  	v14 =	vld [tilespmem:s24+$0x8060];
	_ =	swait.ge [sflag:s19], $0x4000;
	v7 =	vadd.f32 v12, v7;
	v12 =	vsub.f32 v19, v1  }
0x4d: {  	v13 =	vmul.f32 v13, v13;
	[sflag:s19] =	ssyncset.done $0x0;
	v19 =	vsub.f32 v21, v1;
	v8 =	vadd.f32 v10, v8  }
0x4e: {  	s26 =	simm.s32 $0x80;
	v10 =	vsub.f32 v20, v1;
	v11 =	vmul.f32 v11, v11;
	[sflag:s19] =	ssyncadd.s32 $0xFFFFC000;
	v12 =	vmul.f32 v12, v12  }
0x4f: {  	s31 =	simm.s32 $0x0;
	v9 =	vadd.f32 v13, v9;
	v13 =	vsub.f32 v16, v1;
	v16 =	vmul.f32 v19, v19;
	v19 =	vld [tilespmem:s26+$0x10070]  }
0x50: {  	v18 =	vsub.f32 v18, v1;
	v2 =	vadd.f32 v11, v2;
	v11 =	vld [tilespmem:s31+$0x10070]  }
0x51: {  	v10 =	vmul.f32 v10, v10;
	v3 =	vadd.f32 v12, v3;
	v12 =	vld [tilespmem:s31+$0x10000]  }
0x52: {  	v17 =	vsub.f32 v17, v1;
	v5 =	vadd.f32 v16, v5;
	v16 =	vmul.f32 v18, v18;
	v18 =	vld [tilespmem:s31+$0x10020]  }
0x53: {  	v4 =	vadd.f32 v10, v4;
	v10 =	vmul.f32 v13, v13;
	v13 =	vsub.f32 v15, v1;
	v15 =	vld [tilespmem:s31+$0x10010]  }
0x54: {  	v7 =	vadd.f32 v16, v7;
	v16 =	vmul.f32 v17, v17;
	v17 =	vld [tilespmem:s31+$0x10040]  }
0x55: {  	v6 =	vadd.f32 v10, v6;
	v10 =	vmul.f32 v13, v13;
	v13 =	vsub.f32 v14, v1;
	v14 =	vld [tilespmem:s31+$0x10030]  }
0x56: {  	v19 =	vsub.f32 v19, v0;
	v11 =	vsub.f32 v11, v0  }
0x57: {  	v8 =	vadd.f32 v10, v8;
	v10 =	vmul.f32 v13, v13;
	v12 =	vsub.f32 v12, v0;
	v13 =	vld [tilespmem:s31+$0x10050]  }
0x58: {  	v9 =	vadd.f32 v16, v9;
	v16 =	vld [tilespmem:s31+$0x10060];
	v15 =	vsub.f32 v15, v0;
	v11 =	vmul.f32 v11, v11  }
0x59: {  	v20 =	vld [tilespmem:s26+$0x10010];
	v2 =	vadd.f32 v10, v2;
	v10 =	vmul.f32 v12, v12;
	v12 =	vsub.f32 v18, v0  }
0x5a: {  	v18 =	vld [tilespmem:s26+$0x10000];
	v17 =	vsub.f32 v17, v0;
	v14 =	vsub.f32 v14, v0  }
0x5b: {  	v15 =	vmul.f32 v15, v15;
	v3 =	vadd.f32 v11, v3;
	v4 =	vadd.f32 v10, v4  }
0x5c: {  	v11 =	vld [tilespmem:s26+$0x10020];
	v10 =	vmul.f32 v12, v12;
	v17 =	vmul.f32 v17, v17;
	v13 =	vsub.f32 v13, v0  }
0x5d: {  	v12 =	vld [tilespmem:s26+$0x10030];
	v16 =	vsub.f32 v16, v0;
	v5 =	vadd.f32 v15, v5;
	v14 =	vmul.f32 v14, v14  }
0x5e: {  	v6 =	vadd.f32 v10, v6;
	v10 =	vld [tilespmem:s26+$0x10040];
	v8 =	vadd.f32 v17, v8;
	v63 =	vmul.f32 v13, v13  }
0x5f: {  	v16 =	vmul.f32 v16, v16;
	v17 =	vsub.f32 v20, v0;
	v15 =	vsub.f32 v18, v0;
	v13 =	vld [tilespmem:s26+$0x10050]  }
0x60: {  	s25 =	simm.s32 $0x600;
	s24 =	simm.s32 $0x100;
	v7 =	vadd.f32 v14, v7;
	v14 =	vld [tilespmem:s26+$0x10060];
	v18 =	vmul.f32 v19, v19;
	v9 =	vadd.f32 v63, v9  }
.LBB2_4:
0x61: {  	p0 =	sne.s32 s25, $0xFE00;
	v19 =	vld [tilespmem:s24+$0x10070];
	v15 =	vmul.f32 v15, v15;
	v11 =	vsub.f32 v11, v0;
	v2 =	vadd.f32 v16, v2  }
0x62: {  	v16 =	vld [tilespmem:s24+$0x10000];
	v17 =	vmul.f32 v17, v17;
	v12 =	vsub.f32 v12, v0;
	v3 =	vadd.f32 v18, v3  }
0x63: {  	v18 =	vld [tilespmem:s24+$0x10010];
	v4 =	vadd.f32 v15, v4;
	v15 =	vmul.f32 v11, v11;
	v10 =	vsub.f32 v10, v0  }
.Ltmp1:
0x64: {  	v11 =	vld [tilespmem:s24+$0x10020];
	v5 =	vadd.f32 v17, v5;
	v17 =	vmul.f32 v12, v12;
	v13 =	vsub.f32 v13, v0;
	(pc) =	sbr.rel @p0 .LBB2_4-.Ltmp1, $4  }
0x65: {  	v12 =	vld [tilespmem:s24+$0x10030];
	v6 =	vadd.f32 v15, v6;
	v20 =	vmul.f32 v10, v10;
	v14 =	vsub.f32 v14, v0  }
0x66: {  	v10 =	vld [tilespmem:s24+$0x10040];
	v19 =	vsub.f32 v19, v0;
	v7 =	vadd.f32 v17, v7;
	v21 =	vmul.f32 v13, v13  }
0x67: {  	v15 =	vsub.f32 v16, v0;
	v13 =	vld [tilespmem:s24+$0x10050];
	v8 =	vadd.f32 v20, v8;
	v16 =	vmul.f32 v14, v14  }
0x68: {  	v17 =	vsub.f32 v18, v0;
	v14 =	vld [tilespmem:s24+$0x10060];
	s24 =	sshra.s32 s25, $0x2;
	s25 =	sadd.s32 $0x200, s25;
	v18 =	vmul.f32 v19, v19;
	v9 =	vadd.f32 v21, v9  }
0x69: {  	v19 =	vld [tilespmem:s24+$0x10070]  }
0x6a: {  	v20 =	vld [tilespmem:s24+$0x10000]  }
0x6b: {  	v21 =	vld [tilespmem:s24+$0x10010];
	v15 =	vmul.f32 v15, v15;
	v11 =	vsub.f32 v11, v0;
	v2 =	vadd.f32 v16, v2  }
0x6c: {  	v16 =	vld [tilespmem:s24+$0x10020];
	v17 =	vmul.f32 v17, v17;
	v12 =	vsub.f32 v12, v0;
	v3 =	vadd.f32 v18, v3  }
0x6d: {  	v18 =	vld [tilespmem:s24+$0x10030];
	v4 =	vadd.f32 v15, v4;
	v11 =	vmul.f32 v11, v11;
	v10 =	vsub.f32 v10, v0  }
0x6e: {  	v15 =	vld [tilespmem:s24+$0x10040];
	v5 =	vadd.f32 v17, v5;
	v12 =	vmul.f32 v12, v12;
	v13 =	vsub.f32 v13, v0  }
0x6f: {  	v17 =	vld [tilespmem:s24+$0x10050];
	v6 =	vadd.f32 v11, v6;
	v10 =	vmul.f32 v10, v10;
	v11 =	vsub.f32 v14, v0  }
0x70: {  	v14 =	vld [tilespmem:s24+$0x10060];
	_ =	swait.ge [sflag:s20], $0x4000;
	v7 =	vadd.f32 v12, v7;
	v12 =	vsub.f32 v19, v0  }
0x71: {  	v13 =	vmul.f32 v13, v13;
	[sflag:s20] =	ssyncset.done $0x0;
	v19 =	vsub.f32 v21, v0;
	v8 =	vadd.f32 v10, v8  }
0x72: {  	s26 =	simm.s32 $0x80;
	v10 =	vsub.f32 v20, v0;
	v11 =	vmul.f32 v11, v11;
	[sflag:s20] =	ssyncadd.s32 $0xFFFFC000;
	v12 =	vmul.f32 v12, v12  }
0x73: {  	s31 =	simm.s32 $0x0;
	v9 =	vadd.f32 v13, v9;
	v13 =	vsub.f32 v16, v0;
	v16 =	vmul.f32 v19, v19;
	v19 =	vld [tilespmem:s26+$0xC070]  }
0x74: {  	v18 =	vsub.f32 v18, v0;
	v2 =	vadd.f32 v11, v2;
	v11 =	vld [tilespmem:s31+$0xC070]  }
0x75: {  	v10 =	vmul.f32 v10, v10;
	v3 =	vadd.f32 v12, v3;
	v12 =	vld [tilespmem:s31+$0xC000]  }
0x76: {  	v17 =	vsub.f32 v17, v0;
	v5 =	vadd.f32 v16, v5;
	v16 =	vmul.f32 v18, v18;
	v18 =	vld [tilespmem:s31+$0xC020]  }
0x77: {  	v4 =	vadd.f32 v10, v4;
	v10 =	vmul.f32 v13, v13;
	v13 =	vsub.f32 v15, v0;
	v15 =	vld [tilespmem:s31+$0xC010]  }
0x78: {  	v7 =	vadd.f32 v16, v7;
	v16 =	vmul.f32 v17, v17;
	v17 =	vld [tilespmem:s31+$0xC040]  }
0x79: {  	v6 =	vadd.f32 v10, v6;
	v10 =	vmul.f32 v13, v13;
	v13 =	vsub.f32 v14, v0;
	v14 =	vld [tilespmem:s31+$0xC030]  }
0x7a: {  	v19 =	vsub.f32 v19, v1;
	v11 =	vsub.f32 v11, v1  }
0x7b: {  	v8 =	vadd.f32 v10, v8;
	v10 =	vmul.f32 v13, v13;
	v12 =	vsub.f32 v12, v1;
	v13 =	vld [tilespmem:s31+$0xC050]  }
0x7c: {  	v9 =	vadd.f32 v16, v9;
	v16 =	vld [tilespmem:s31+$0xC060];
	v15 =	vsub.f32 v15, v1;
	v11 =	vmul.f32 v11, v11  }
0x7d: {  	v20 =	vld [tilespmem:s26+$0xC010];
	v2 =	vadd.f32 v10, v2;
	v10 =	vmul.f32 v12, v12;
	v12 =	vsub.f32 v18, v1  }
0x7e: {  	v18 =	vld [tilespmem:s26+$0xC000];
	v17 =	vsub.f32 v17, v1;
	v14 =	vsub.f32 v14, v1  }
0x7f: {  	v15 =	vmul.f32 v15, v15;
	v3 =	vadd.f32 v11, v3;
	v4 =	vadd.f32 v10, v4  }
0x80: {  	v11 =	vld [tilespmem:s26+$0xC020];
	v10 =	vmul.f32 v12, v12;
	v17 =	vmul.f32 v17, v17;
	v13 =	vsub.f32 v13, v1  }
0x81: {  	v12 =	vld [tilespmem:s26+$0xC030];
	v16 =	vsub.f32 v16, v1;
	v5 =	vadd.f32 v15, v5;
	v14 =	vmul.f32 v14, v14  }
0x82: {  	v6 =	vadd.f32 v10, v6;
	v10 =	vld [tilespmem:s26+$0xC040];
	v8 =	vadd.f32 v17, v8;
	v63 =	vmul.f32 v13, v13  }
0x83: {  	v16 =	vmul.f32 v16, v16;
	v17 =	vsub.f32 v20, v1;
	v15 =	vsub.f32 v18, v1;
	v13 =	vld [tilespmem:s26+$0xC050]  }
0x84: {  	s25 =	simm.s32 $0x600;
	s24 =	simm.s32 $0x100;
	v7 =	vadd.f32 v14, v7;
	v14 =	vld [tilespmem:s26+$0xC060];
	v18 =	vmul.f32 v19, v19;
	v9 =	vadd.f32 v63, v9  }
.LBB2_6:
0x85: {  	p0 =	sne.s32 s25, $0xFE00;
	v19 =	vld [tilespmem:s24+$0xC070];
	v15 =	vmul.f32 v15, v15;
	v11 =	vsub.f32 v11, v1;
	v2 =	vadd.f32 v16, v2  }
0x86: {  	v16 =	vld [tilespmem:s24+$0xC000];
	v17 =	vmul.f32 v17, v17;
	v12 =	vsub.f32 v12, v1;
	v3 =	vadd.f32 v18, v3  }
0x87: {  	v18 =	vld [tilespmem:s24+$0xC010];
	v4 =	vadd.f32 v15, v4;
	v15 =	vmul.f32 v11, v11;
	v10 =	vsub.f32 v10, v1  }
.Ltmp2:
0x88: {  	v11 =	vld [tilespmem:s24+$0xC020];
	v5 =	vadd.f32 v17, v5;
	v17 =	vmul.f32 v12, v12;
	v13 =	vsub.f32 v13, v1;
	(pc) =	sbr.rel @p0 .LBB2_6-.Ltmp2, $4  }
0x89: {  	v12 =	vld [tilespmem:s24+$0xC030];
	v6 =	vadd.f32 v15, v6;
	v20 =	vmul.f32 v10, v10;
	v14 =	vsub.f32 v14, v1  }
0x8a: {  	v10 =	vld [tilespmem:s24+$0xC040];
	v19 =	vsub.f32 v19, v1;
	v7 =	vadd.f32 v17, v7;
	v21 =	vmul.f32 v13, v13  }
0x8b: {  	v15 =	vsub.f32 v16, v1;
	v13 =	vld [tilespmem:s24+$0xC050];
	v8 =	vadd.f32 v20, v8;
	v16 =	vmul.f32 v14, v14  }
0x8c: {  	v17 =	vsub.f32 v18, v1;
	v14 =	vld [tilespmem:s24+$0xC060];
	s24 =	sshra.s32 s25, $0x2;
	s25 =	sadd.s32 $0x200, s25;
	v18 =	vmul.f32 v19, v19;
	v9 =	vadd.f32 v21, v9  }
0x8d: {  	v19 =	vld [tilespmem:s24+$0xC070];
	v15 =	vmul.f32 v15, v15;
	v11 =	vsub.f32 v11, v1  }
0x8e: {  	v21 =	vld [tilespmem:s24+$0xC010];
	v2 =	vadd.f32 v16, v2;
	v17 =	vmul.f32 v17, v17;
	v12 =	vsub.f32 v12, v1  }
0x8f: {  	v20 =	vld [tilespmem:s24+$0xC000];
	v3 =	vadd.f32 v18, v3;
	v4 =	vadd.f32 v15, v4;
	v11 =	vmul.f32 v11, v11  }
0x90: {  	v18 =	vld [tilespmem:s24+$0xC030];
	v10 =	vsub.f32 v10, v1;
	v5 =	vadd.f32 v17, v5;
	v12 =	vmul.f32 v12, v12  }
0x91: {  	v16 =	vld [tilespmem:s24+$0xC020];
	v13 =	vsub.f32 v13, v1;
	v6 =	vadd.f32 v11, v6  }
0x92: {  	v15 =	vld [tilespmem:s24+$0xC040];
	v10 =	vmul.f32 v10, v10;
	v11 =	vsub.f32 v14, v1;
	v7 =	vadd.f32 v12, v7  }
0x93: {  	v17 =	vld [tilespmem:s24+$0xC050];
	v12 =	vsub.f32 v19, v1;
	v19 =	vsub.f32 v21, v1  }
0x94: {  	v14 =	vld [tilespmem:s24+$0xC060];
	_ =	swait.ge [sflag:s21], $0x4000;
	v13 =	vmul.f32 v13, v13;
	v8 =	vadd.f32 v10, v8;
	v10 =	vsub.f32 v20, v1  }
0x95: {  	[sflag:s21] =	ssyncset.done $0x0;
	v11 =	vmul.f32 v11, v11;
	v18 =	vsub.f32 v18, v1;
	v12 =	vmul.f32 v12, v12  }
0x96: {  	s31 =	simm.s32 $0x0;
	[sflag:s21] =	ssyncadd.s32 $0xFFFFC000;
	v9 =	vadd.f32 v13, v9;
	v13 =	vsub.f32 v16, v1;
	v16 =	vmul.f32 v19, v19  }
0x97: {  	v10 =	vmul.f32 v10, v10;
	v2 =	vadd.f32 v11, v2;
	v11 =	vld [tilespmem:s31+$0x14070]  }
0x98: {  	v3 =	vadd.f32 v12, v3;
	v12 =	vld [tilespmem:s31+$0x14000];
	v16 =	vadd.f32 v16, v5;
	v5 =	vmul.f32 v18, v18  }
0x99: {  	v18 =	vld [tilespmem:s31+$0x14020];
	v4 =	vadd.f32 v10, v4;
	v10 =	vmul.f32 v13, v13;
	v13 =	vsub.f32 v15, v1  }
0x9a: {  	v17 =	vsub.f32 v17, v1;
	v15 =	vld [tilespmem:s31+$0x14010]  }
0x9b: {  	v1 =	vsub.f32 v14, v1;
	v19 =	vadd.f32 v10, v6;
	v6 =	vmul.f32 v13, v13;
	v10 =	vld [tilespmem:s31+$0x14030]  }
0x9c: {  	v13 =	vadd.f32 v5, v7;
	v5 =	vmul.f32 v17, v17;
	v7 =	vld [tilespmem:s31+$0x14040]  }
0x9d: {  	v1 =	vmul.f32 v1, v1;
	v11 =	vsub.f32 v11, v0;
	v17 =	vadd.f32 v6, v8;
	v8 =	vld [tilespmem:s31+$0x14050]  }
0x9e: {  	s26 =	simm.s32 $0x80;
	v6 =	vsub.f32 v12, v0;
	v62 =	vadd.f32 v5, v9;
	v12 =	vld [tilespmem:s31+$0x14060]  }
0x9f: {  	v5 =	vadd.f32 v1, v2;
	v2 =	vld [tilespmem:s26+$0x14070];
	v9 =	vsub.f32 v15, v0;
	v11 =	vmul.f32 v11, v11  }
0xa0: {  	v14 =	vsub.f32 v18, v0;
	v15 =	vld [tilespmem:s26+$0x14000];
	v6 =	vmul.f32 v6, v6  }
0xa1: {  	v9 =	vmul.f32 v9, v9;
	v10 =	vsub.f32 v10, v0;
	v1 =	vadd.f32 v11, v3  }
0xa2: {  	v3 =	vld [tilespmem:s26+$0x14010];
	v11 =	vsub.f32 v7, v0;
	v6 =	vadd.f32 v6, v4;
	v4 =	vmul.f32 v14, v14  }
0xa3: {  	v14 =	vld [tilespmem:s26+$0x14020];
	v7 =	vadd.f32 v9, v16;
	v9 =	vmul.f32 v10, v10;
	v16 =	vsub.f32 v8, v0  }
0xa4: {  	v10 =	vld [tilespmem:s26+$0x14030];
	v18 =	vmul.f32 v11, v11;
	v8 =	vadd.f32 v4, v19;
	v19 =	vsub.f32 v12, v0  }
0xa5: {  	v11 =	vld [tilespmem:s26+$0x14040];
	v63 =	vsub.f32 v2, v0;
	v15 =	vsub.f32 v15, v0;
	v22 =	vmul.f32 v16, v16  }
0xa6: {  	v12 =	vld [tilespmem:s26+$0x14050];
	v4 =	vadd.f32 v9, v13;
	v2 =	vadd.f32 v18, v17;
	v16 =	vmul.f32 v19, v19  }
0xa7: {  	s25 =	simm.s32 $0x600;
	s24 =	simm.s32 $0x100;
	v13 =	vld [tilespmem:s26+$0x14060];
	v9 =	vmul.f32 v63, v63;
	v17 =	vsub.f32 v3, v0;
	v3 =	vadd.f32 v22, v62  }
.LBB2_8:
0xa8: {  	p0 =	sne.s32 s25, $0xFE00;
	v18 =	vld [tilespmem:s24+$0x14070];
	v15 =	vmul.f32 v15, v15;
	v14 =	vsub.f32 v14, v0;
	v5 =	vadd.f32 v16, v5  }
0xa9: {  	v16 =	vld [tilespmem:s24+$0x14000];
	v17 =	vmul.f32 v17, v17;
	v10 =	vsub.f32 v10, v0;
	v1 =	vadd.f32 v9, v1  }
0xaa: {  	v9 =	vld [tilespmem:s24+$0x14010];
	v6 =	vadd.f32 v15, v6;
	v15 =	vmul.f32 v14, v14;
	v11 =	vsub.f32 v11, v0  }
.Ltmp3:
0xab: {  	v14 =	vld [tilespmem:s24+$0x14020];
	v7 =	vadd.f32 v17, v7;
	v17 =	vmul.f32 v10, v10;
	v12 =	vsub.f32 v12, v0;
	(pc) =	sbr.rel @p0 .LBB2_8-.Ltmp3, $4  }
0xac: {  	v10 =	vld [tilespmem:s24+$0x14030];
	v8 =	vadd.f32 v15, v8;
	v19 =	vmul.f32 v11, v11;
	v13 =	vsub.f32 v13, v0  }
0xad: {  	v11 =	vld [tilespmem:s24+$0x14040];
	v18 =	vsub.f32 v18, v0;
	v4 =	vadd.f32 v17, v4;
	v20 =	vmul.f32 v12, v12  }
0xae: {  	v15 =	vsub.f32 v16, v0;
	v12 =	vld [tilespmem:s24+$0x14050];
	v2 =	vadd.f32 v19, v2;
	v16 =	vmul.f32 v13, v13  }
0xaf: {  	v17 =	vsub.f32 v9, v0;
	v13 =	vld [tilespmem:s24+$0x14060];
	s24 =	sshra.s32 s25, $0x2;
	s25 =	sadd.s32 $0x200, s25;
	v9 =	vmul.f32 v18, v18;
	v3 =	vadd.f32 v20, v3  }
0xb0: {  	v18 =	vld [tilespmem:s24+$0x14000]  }
0xb1: {  	v19 =	vld [tilespmem:s24+$0x14010]  }
0xb2: {  	v15 =	vmul.f32 v15, v15  }
0xb3: {  	v14 =	vsub.f32 v14, v0;
	v20 =	vld [tilespmem:s24+$0x14020];
	v5 =	vadd.f32 v16, v5;
	v17 =	vmul.f32 v17, v17  }
0xb4: {  	v48 =	vld [tilespmem:s24+$0x14030];
	v10 =	vsub.f32 v10, v0;
	v6 =	vadd.f32 v15, v6  }
0xb5: {  	v14 =	vmul.f32 v14, v14;
	v11 =	vsub.f32 v11, v0;
	v7 =	vadd.f32 v17, v7  }
0xb6: {  	v49 =	vld [tilespmem:s24+$0x14040];
	v47 =	vsub.f32 v18, v0;
	v50 =	vsub.f32 v19, v0  }
0xb7: {  	v12 =	vsub.f32 v12, v0;
	v8 =	vadd.f32 v14, v8  }
0xb8: {  	v51 =	vld [tilespmem:s24+$0x14050];
	v52 =	vsub.f32 v20, v0;
	v16 =	vmul.f32 v47, v47;
	v17 =	vmul.f32 v50, v50  }
0xb9: {  	v10 =	vmul.f32 v10, v10;
	v13 =	vsub.f32 v13, v0;
	v15 =	vsub.f32 v48, v0  }
0xba: {  	v53 =	vld [tilespmem:s24+$0x14060];
	v18 =	vmul.f32 v52, v52;
	v6 =	vadd.f32 v16, v6;
	v7 =	vadd.f32 v17, v7  }
0xbb: {  	v11 =	vmul.f32 v11, v11;
	v4 =	vadd.f32 v10, v4;
	v54 =	vsub.f32 v49, v0  }
0xbc: {  	v55 =	vld [tilespmem:s24+$0x14070];
	v15 =	vmul.f32 v15, v15;
	v8 =	vadd.f32 v18, v8;
	v6 =	vadd.f32 v7, v6  }
0xbd: {  	v56 =	vmul.f32 v12, v12;
	v57 =	vsub.f32 v51, v0;
	v2 =	vadd.f32 v11, v2  }
0xbe: {  	v10 =	vmul.f32 v54, v54;
	v4 =	vadd.f32 v15, v4;
	v6 =	vadd.f32 v8, v6  }
0xbf: {  	v59 =	vsub.f32 v53, v0;
	v58 =	vmul.f32 v13, v13;
	v3 =	vadd.f32 v56, v3  }
0xc0: {  	v11 =	vmul.f32 v57, v57;
	v2 =	vadd.f32 v10, v2;
	v4 =	vadd.f32 v4, v6  }
0xc1: {  	v60 =	vsub.f32 v55, v0;
	v5 =	vadd.f32 v58, v5  }
0xc2: {  	v61 =	vmul.f32 v59, v59;
	v3 =	vadd.f32 v11, v3;
	v2 =	vadd.f32 v2, v4  }
0xc3: {  	v1 =	vadd.f32 v9, v1  }
0xc4: {  	v0 =	vmul.f32 v60, v60;
	v62 =	vadd.f32 v61, v5;
	v2 =	vadd.f32 v3, v2;
	_ =	sdelay $0x1  }
0xc5: {  	v0 =	vadd.f32 v0, v1;
	v63 =	vadd.f32 v62, v2;
	_ =	sdelay $0x1  }
0xc6: {  	s23 =	sadd.s32 $0x1, s23;
	v0 =	vadd.f32 v0, v63  }
0xc7: {  	p0 =	sne.s32 s23, s9  }
.Ltmp4:
0xc8: {  	[tilespmem:$0x18020] =	vst v0;
	(pc) =	sbr.rel @p0 .LBB2_1-.Ltmp4, $4  }
0xc9: {  	[hbm4b:s8+s6] =	stream.linear.scatter [tilespmem:s22], [sflag:$0x5], $0x10, $0x38;
	[tilespmem:$0x18030] =	vst v63  }
0xca: {  	_ =	swait.ge [sflag:s10], $0x10  }
0xcb: {  	[sflag:s10] =	ssyncset.done $0x0  }
0xcc: {  	[sflag:s10] =	ssyncadd.s32 $0xFFFFFFF0  }
0xcd: {  	_ =	sfence.sel $0x180000  }
0xce: {  	[bflag:$0x0] =	sbarrier.arrive $0xFFFF  }
0xcf: {  	p0 =	sne.s32 s5, $0x0;
	_ =	strace $0x90000047  }
0xd0: {  	s0 =	sadd.s32 @!p0 $0x100000, s0;
	[bflag:$0x2] =	sbarrier.arrive $0xFFFF  }
0xd1: {  	[sflag:s0] =	ssyncadd.tile.s32 @!p0 $0x1;
	_ =	shalt  }
.Lfunc_end2:
_tile_overlayer_lowered:
.L_overlay_start_2:
0xd2: {  	(tag) =	ssettag $0x2  }
0xd3: {  	s0 =	rddreg [dreg:$0x0];
	s2 =	stileid.u32  }
0xd4: {  	s1 =	rddreg [dreg:$0x1];
	p0 =	sne.s32 s2, $0x0  }
0xd5: {  	s3 =	rddreg [dreg:$0x2];
	[bflag:$0x3] =	sbarrier.arrive $0xFFFF;
	s2 =	simm.s32 @!p0 $0x1C05  }
0xd6: {  	[timem:s3], [sflag:s2] =	dma.local @!p0 [hbm:s0], s1  }
0xd7: {  	s0 =	simm.s32 @!p0 $0x5  }
0xd8: {  	_ =	swait.ge @!p0 [sflag:s0], s1  }
0xd9: {  	s1 =	ssub.s32 @!p0 $0x0, s1;
	[sflag:s0] =	ssyncset.done @!p0 $0x0  }
0xda: {  	[sflag:s0] =	ssyncadd.s32 @!p0 s1  }
0xdb: {  	[bflag:$0x3] =	sbarrier.arrive $0xFFFF  }
0xdc: {  	_ =	shalt  }

</sc_bundles>
